<compile_context>
chip_gen: v7x
topology: tpu7x:2x2x1
jax: 0.10.2.dev20260603
libtpu: 0.0.44.dev20260713+nightly
codegen_flags: <defaults>
</compile_context>

<pallas_src>
import functools

import jax
import jax.numpy as jnp
from jax import lax
from jax.experimental import pallas as pl
from jax.experimental.pallas import tpu as pltpu
from jax.experimental.pallas import tpu_sc as plsc

N_NODES = 10000
N_EDGES = 320000
IN_FEATS = 128
H_FEATS = 256
NUM_CLASSES = 64

NC, NS = 2, 16
NW = NC * NS
K = 80
ZR = 208
ROWS_PER_TILE = 624
TAIL_BASE = NS * ROWS_PER_TILE
TAIL_ROWS = N_NODES - TAIL_BASE
DEG_CHUNK = 1000


def _make_seg_sum(d, with_deg):
    e_per_w = N_EDGES // NW
    n_chunks = e_per_w // K
    assert N_EDGES % NW == 0 and e_per_w % K == 0
    n_pairs = n_chunks // 2
    tail_chunks = n_chunks - 2 * n_pairs

    out_types = [jax.ShapeDtypeStruct((NC * N_NODES, d), jnp.float32)]
    scratch = [
        pltpu.VMEM((e_per_w,), jnp.int32),
        pltpu.VMEM((n_chunks, K), jnp.int32),
        pltpu.VMEM((K, d), jnp.float32),
        pltpu.VMEM((K, d), jnp.float32),
        pltpu.VMEM_SHARED((N_NODES, d), jnp.float32),
        pltpu.SemaphoreType.DMA,
        pltpu.SemaphoreType.DMA,
        pltpu.SemaphoreType.DMA,
        pltpu.SemaphoreType.DMA,
    ]
    if with_deg:
        out_types.append(jax.ShapeDtypeStruct((NC * N_NODES,), jnp.float32))
        scratch += [
            pltpu.VMEM((K,), jnp.float32),
            pltpu.VMEM((1008,), jnp.float32),
            pltpu.VMEM_SHARED((N_NODES,), jnp.float32),
            pltpu.SemaphoreType.DMA,
        ]

    mesh = plsc.VectorSubcoreMesh(
        core_axis_name="c", subcore_axis_name="s",
        num_cores=NC, num_subcores=NS)

    @functools.partial(pl.kernel, out_type=out_types, mesh=mesh,
                       scratch_types=scratch)
    def seg_sum(feats, src, dstr, *refs):
        if with_deg:
            (out_hbm, deg_hbm, sidx, didx, rows0, rows1, acc,
             gsem0, gsem1, ssem0, ssem1, ones, zdeg, dacc, degsem) = refs
        else:
            (out_hbm, sidx, didx, rows0, rows1, acc,
             gsem0, gsem1, ssem0, ssem1) = refs
        c = lax.axis_index("c")
        s = lax.axis_index("s")
        wid = s * NC + c
        rows = (rows0, rows1)
        gsem = (gsem0, gsem1)
        ssem = (ssem0, ssem1)

        pltpu.async_copy(src.at[pl.ds(wid * e_per_w, e_per_w)], sidx, gsem0)
        pltpu.async_copy(dstr.at[wid], didx, gsem1)

        def zrow_body(i, carry):
            for j in range(d // 16):
                rows0[i, pl.ds(j * 16, 16)] = jnp.zeros((16,), jnp.float32)
            return carry
        lax.fori_loop(0, K, zrow_body, 0)
        if with_deg:
            for j in range(K // 16):
                ones[pl.ds(j * 16, 16)] = jnp.ones((16,), jnp.float32)

            def zdeg_body(i, carry):
                zdeg[pl.ds(i * 16, 16)] = jnp.zeros((16,), jnp.float32)
                return carry
            lax.fori_loop(0, 1008 // 16, zdeg_body, 0)

        z_full = ROWS_PER_TILE // K
        z_rem = ROWS_PER_TILE - z_full * K
        for z in range(z_full):
            pltpu.async_copy(
                rows0, acc.at[pl.ds(s * ROWS_PER_TILE + z * K, K)], ssem0)
        if z_rem:
            pltpu.async_copy(
                rows0.at[pl.ds(0, z_rem)],
                acc.at[pl.ds(s * ROWS_PER_TILE + ROWS_PER_TILE - z_rem,
                             z_rem)], ssem1)
        @pl.when(s == 0)
        def _():
            pltpu.sync_copy(rows0.at[pl.ds(0, TAIL_ROWS)],
                            acc.at[pl.ds(TAIL_BASE, TAIL_ROWS)])
        if with_deg:
            @pl.when(s < N_NODES // DEG_CHUNK)
            def _():
                pltpu.sync_copy(zdeg.at[pl.ds(0, DEG_CHUNK)],
                                dacc.at[pl.ds(s * DEG_CHUNK, DEG_CHUNK)])
        pltpu.make_async_copy(
            src.at[pl.ds(0, e_per_w)], sidx, gsem0).wait()
        pltpu.make_async_copy(dstr.at[0], didx, gsem1).wait()
        for z in range(z_full):
            pltpu.make_async_copy(
                rows0, acc.at[pl.ds(0, K)], ssem0).wait()
        if z_rem:
            pltpu.make_async_copy(
                rows0.at[pl.ds(0, z_rem)], acc.at[pl.ds(0, z_rem)],
                ssem1).wait()
        plsc.subcore_barrier()

        def gather(k, b):
            pltpu.async_copy(
                feats.at[sidx.at[pl.ds(k * K, K)]], rows[b], gsem[b])

        def scatter(k, b):
            pltpu.async_copy(rows[b], acc.at[didx.at[k]], ssem[b], add=True)
            if with_deg:
                pltpu.async_copy(ones, dacc.at[didx.at[k]], degsem, add=True)

        def wait_scatter(b):
            pltpu.make_async_copy(rows[b], acc.at[didx.at[0]], ssem[b]).wait()

        def wait_gather(b):
            pltpu.make_async_copy(
                feats.at[sidx.at[pl.ds(0, K)]], rows[b], gsem[b]).wait()

        gather(0, 0)
        gather(1, 1)
        wait_gather(0)
        scatter(0, 0)
        wait_gather(1)
        scatter(1, 1)

        def pair(k2, carry):
            c0 = 2 * k2
            for b in range(2):
                wait_scatter(b)
                gather(c0 + b, b)
            for b in range(2):
                wait_gather(b)
                scatter(c0 + b, b)
            return carry
        lax.fori_loop(1, n_pairs, pair, 0)

        for t in range(tail_chunks):
            k = 2 * n_pairs + t
            wait_scatter(0)
            gather(k, 0)
            wait_gather(0)
            scatter(k, 0)

        for b in range(2):
            wait_scatter(b)
        if with_deg:
            def deg_drain(i, carry):
                pltpu.make_async_copy(
                    ones, dacc.at[didx.at[0]], degsem).wait()
                return carry
            lax.fori_loop(0, n_chunks, deg_drain, 0)
        plsc.subcore_barrier()

        pltpu.sync_copy(
            acc.at[pl.ds(s * ROWS_PER_TILE, ROWS_PER_TILE)],
            out_hbm.at[pl.ds(c * N_NODES + s * ROWS_PER_TILE, ROWS_PER_TILE)])
        @pl.when(s == 0)
        def _():
            pltpu.sync_copy(
                acc.at[pl.ds(TAIL_BASE, TAIL_ROWS)],
                out_hbm.at[pl.ds(c * N_NODES + TAIL_BASE, TAIL_ROWS)])
        if with_deg:
            @pl.when(s < N_NODES // DEG_CHUNK)
            def _():
                pltpu.sync_copy(dacc.at[pl.ds(s * DEG_CHUNK, DEG_CHUNK)],
                                zdeg.at[pl.ds(0, DEG_CHUNK)])
                pltpu.sync_copy(
                    zdeg.at[pl.ds(0, DEG_CHUNK)],
                    deg_hbm.at[pl.ds(c * N_NODES + s * DEG_CHUNK, DEG_CHUNK)])

    return seg_sum


_seg_sum_x = _make_seg_sum(IN_FEATS, with_deg=True)
_seg_sum_g = _make_seg_sum(IN_FEATS, with_deg=False)

_NB = 1000


def _dense_body(p0, p1, d0, d1, w1t, b1, w2t, g):
    deg = jnp.maximum(d0[...] + d1[...], 1.0)
    a = (p0[...] + p1[...]) / deg
    h = jnp.dot(a, w1t[...], preferred_element_type=jnp.float32) + b1[...]
    h = jnp.maximum(h, 0.0)
    g2 = jnp.dot(h, w2t[...], preferred_element_type=jnp.float32)
    g[...] = jnp.concatenate(
        [g2, jnp.zeros((_NB, IN_FEATS - NUM_CLASSES), jnp.float32)], axis=1)


def _combine_body(q0, q1, d0, d1, b2, o):
    deg = jnp.maximum(d0[...] + d1[...], 1.0)
    q = q0[:, :NUM_CLASSES] + q1[:, :NUM_CLASSES]
    o[...] = q / deg + b2[...]


_NBLK = N_NODES // _NB

_dense = pl.pallas_call(
    _dense_body,
    grid=(_NBLK,),
    in_specs=[
        pl.BlockSpec((_NB, IN_FEATS), lambda i: (i, 0)),
        pl.BlockSpec((_NB, IN_FEATS), lambda i: (i + _NBLK, 0)),
        pl.BlockSpec((_NB, 1), lambda i: (i, 0)),
        pl.BlockSpec((_NB, 1), lambda i: (i + _NBLK, 0)),
        pl.BlockSpec((IN_FEATS, H_FEATS), lambda i: (0, 0)),
        pl.BlockSpec((1, H_FEATS), lambda i: (0, 0)),
        pl.BlockSpec((H_FEATS, NUM_CLASSES), lambda i: (0, 0)),
    ],
    out_specs=pl.BlockSpec((_NB, IN_FEATS), lambda i: (i, 0)),
    out_shape=jax.ShapeDtypeStruct((N_NODES, IN_FEATS), jnp.float32),
)

_combine = pl.pallas_call(
    _combine_body,
    grid=(_NBLK,),
    in_specs=[
        pl.BlockSpec((_NB, IN_FEATS), lambda i: (i, 0)),
        pl.BlockSpec((_NB, IN_FEATS), lambda i: (i + _NBLK, 0)),
        pl.BlockSpec((_NB, 1), lambda i: (i, 0)),
        pl.BlockSpec((_NB, 1), lambda i: (i + _NBLK, 0)),
        pl.BlockSpec((1, NUM_CLASSES), lambda i: (0, 0)),
    ],
    out_specs=pl.BlockSpec((_NB, NUM_CLASSES), lambda i: (i, 0)),
    out_shape=jax.ShapeDtypeStruct((N_NODES, NUM_CLASSES), jnp.float32),
)


_N_CHUNKS = N_EDGES // NW // K


def kernel(x, edge_index, W1, b1, W2, b2):
    src = edge_index[0].astype(jnp.int32)
    dst = edge_index[1].astype(jnp.int32).reshape(NW, _N_CHUNKS, K)

    part1, degp = _seg_sum_x(x, src, dst)
    degc = degp.reshape(NC * N_NODES, 1)
    g = _dense(part1, part1, degc, degc,
               W1.T, b1.reshape(1, H_FEATS), W2.T)
    (part2,) = _seg_sum_g(g, src, dst)
    out = _combine(part2, part2, degc, degc,
                   b2.reshape(1, NUM_CLASSES))
    return out

# --- scband reference (transcript-rebuilt; emitter-appended) ---
"""Pipeline reference for scband-graph-sage-29308856828063 (READ-ONLY COPY).

The authoritative reference and input builder live on the scoring server;
editing this copy changes nothing except your own understanding.
"""

import jax, jax.numpy as jnp
import numpy as np

N_NODES = 10000
N_EDGES = 320000
IN_FEATS = 128
H_FEATS = 256
NUM_CLASSES = 64


def setup_inputs(seed: int = 0) -> dict:
    key = jax.random.key(seed)
    k_x, k_e, k_w1, k_b1, k_w2, k_b2 = jax.random.split(key, 6)
    x = jax.random.normal(k_x, (N_NODES, IN_FEATS), dtype=jnp.float32)
    edge_index = jax.random.randint(k_e, (2, N_EDGES), 0, N_NODES, dtype=jnp.int64)
    # nn.Linear(in, out): weight [out, in], bias [out]
    W1 = jax.random.normal(k_w1, (H_FEATS, IN_FEATS), dtype=jnp.float32) * (1.0 / np.sqrt(IN_FEATS))
    b1 = jax.random.normal(k_b1, (H_FEATS,), dtype=jnp.float32) * 0.01
    W2 = jax.random.normal(k_w2, (NUM_CLASSES, H_FEATS), dtype=jnp.float32) * (1.0 / np.sqrt(H_FEATS))
    b2 = jax.random.normal(k_b2, (NUM_CLASSES,), dtype=jnp.float32) * 0.01
    return {"x": x, "edge_index": edge_index, "W1": W1, "b1": b1, "W2": W2, "b2": b2}


def _mean_aggregate(feats, src, dst, n_nodes, deg):
    # DGL update_all(copy_src, mean): mean of in-edge source features per dst node
    summed = jax.ops.segment_sum(feats[src], dst, num_segments=n_nodes)
    return summed / deg[:, None]


def reference(x, edge_index, W1, b1, W2, b2):
    src = edge_index[0]
    dst = edge_index[1]
    n_nodes = x.shape[0]
    deg = jnp.zeros((n_nodes,), dtype=x.dtype).at[dst].add(1.0)
    deg = jnp.maximum(deg, 1.0)  # isolated nodes -> 0 features (avoid div by 0)
    # SAGEConv 1: aggregate then linear
    h = _mean_aggregate(x, src, dst, n_nodes, deg)
    h = h @ W1.T + b1
    h = jax.nn.relu(h)
    # SAGEConv 2
    h2 = _mean_aggregate(h, src, dst, n_nodes, deg)
    out = h2 @ W2.T + b2
    return out

if __name__ == "__main__":
    import jax
    _d = setup_inputs()
    print(jax.jit(kernel)(*tuple(_d.values())))

</pallas_src>

<mosaic_0001>
#map = affine_map<(d0, d1) -> (0, 0)>
#map1 = affine_map<(d0, d1) -> (0)>
#map2 = affine_map<(d0, d1) -> (0, 0, 0)>
module attributes {stable_mosaic.version = 14 : i64} {
  func.func @seg_sum(%arg0: i32, %arg1: i32, %arg2: memref<10000x128xf32, #tpu.memory_space<hbm>>, %arg3: memref<320000xi32, #tpu.memory_space<hbm>>, %arg4: memref<32x125x80xi32, #tpu.memory_space<hbm>>, %arg5: memref<20000x128xf32, #tpu.memory_space<hbm>>, %arg6: memref<10000xi32, #tpu.memory_space<vmem>>, %arg7: memref<125x80xi32, #tpu.memory_space<vmem>>, %arg8: memref<80x128xf32, #tpu.memory_space<vmem>>, %arg9: memref<80x128xf32, #tpu.memory_space<vmem>>, %arg10: memref<10000x128xf32, #tpu.memory_space<vmem_shared>>, %arg11: memref<!tpu.dma_semaphore, #tpu.memory_space<semaphore_mem>>, %arg12: memref<!tpu.dma_semaphore, #tpu.memory_space<semaphore_mem>>, %arg13: memref<!tpu.dma_semaphore, #tpu.memory_space<semaphore_mem>>, %arg14: memref<!tpu.dma_semaphore, #tpu.memory_space<semaphore_mem>>) attributes {dimension_semantics = [#tpu.dimension_semantics<core_parallel>, #tpu.dimension_semantics<subcore_parallel>], iteration_bounds = array<i64: 2, 16>, scalar_prefetch = 0 : i64, scratch_operands = 9 : i64, tpu.core_type = #tpu.core_type<sc_vector_subcore>, window_params = [{transform_indices = #map}, {transform_indices = #map1}, {transform_indices = #map2}, {transform_indices = #map}]} {
    %mul3A = arith.constant 2 : i32
    %mul3A_0 = arith.muli %arg1, %mul3A : i32
    %add3A = arith.addi %mul3A_0, %arg0 : i32
    %mul3A_1 = arith.constant 10000 : i32
    %mul3A_2 = arith.muli %add3A, %mul3A_1 : i32
    %dma_start3A = tpu.memref_slice %arg3[%mul3A_2] : memref<320000xi32, #tpu.memory_space<hbm>> -> memref<10000xi32, #tpu.memory_space<hbm>>
    %dma_start3A_3 = tpu.memref_slice %arg3[%mul3A_2] : memref<320000xi32, #tpu.memory_space<hbm>> -> memref<10000xi32, #tpu.memory_space<hbm>>
    tpu.enqueue_dma source(%dma_start3A_3 : memref<10000xi32, #tpu.memory_space<hbm>>) target(%arg6 : memref<10000xi32, #tpu.memory_space<vmem>>) target_semaphore(%arg11 : memref<!tpu.dma_semaphore, #tpu.memory_space<semaphore_mem>>)
    %dma_start3A_4 = arith.constant 0 : i32
    %dma_start3A_5 = arith.constant 0 : i32
    %dma_start3A_6 = tpu.memref_slice %arg4[%add3A, %dma_start3A_4, %dma_start3A_5] : memref<32x125x80xi32, #tpu.memory_space<hbm>> -> memref<1x125x80xi32, #tpu.memory_space<hbm>>
    %dma_start3A_7 = tpu.memref_squeeze %dma_start3A_6 : memref<1x125x80xi32, #tpu.memory_space<hbm>> -> memref<125x80xi32, #tpu.memory_space<hbm>>
    %dma_start3A_8 = arith.constant 0 : i32
    %dma_start3A_9 = arith.constant 0 : i32
    %dma_start3A_10 = tpu.memref_slice %arg4[%add3A, %dma_start3A_8, %dma_start3A_9] : memref<32x125x80xi32, #tpu.memory_space<hbm>> -> memref<1x125x80xi32, #tpu.memory_space<hbm>>
    %dma_start3A_11 = tpu.memref_squeeze %dma_start3A_10 : memref<1x125x80xi32, #tpu.memory_space<hbm>> -> memref<125x80xi32, #tpu.memory_space<hbm>>
    tpu.enqueue_dma source(%dma_start3A_11 : memref<125x80xi32, #tpu.memory_space<hbm>>) target(%arg7 : memref<125x80xi32, #tpu.memory_space<vmem>>) target_semaphore(%arg12 : memref<!tpu.dma_semaphore, #tpu.memory_space<semaphore_mem>>)
    %scan3A = arith.constant 0 : i32
    %scan3A_12 = arith.constant 0 : i32
    %scan3A_13 = arith.constant 80 : i32
    %scan3A_14 = arith.addi %scan3A_12, %scan3A_13 : i32
    %scan3A_15 = arith.constant 1 : i32
    scf.for %scan3A_247 = %scan3A_12 to %scan3A_14 step %scan3A_15  : i32 {
      %broadcast_in_dim3A = arith.constant 0.000000e+00 : f32
      %broadcast_in_dim3A_248 = vector.broadcast %broadcast_in_dim3A : f32 to vector<16xf32>
      %swap3A = arith.index_cast %scan3A_247 : i32 to index
      %swap3A_249 = arith.constant 0 : index
      %swap3A_250 = tpu.vector_load %arg8[%swap3A, %swap3A_249] {strides = array<i32>} : memref<80x128xf32, #tpu.memory_space<vmem>>, vector<1x16xf32>,
      %swap3A_251 = vector.shape_cast %swap3A_250 : vector<1x16xf32> to vector<16xf32>
      %swap3A_252 = vector.shape_cast %broadcast_in_dim3A_248 : vector<16xf32> to vector<1x16xf32>
      tpu.vector_store %arg8[%swap3A, %swap3A_249], %swap3A_252 {strides = array<i32>} : memref<80x128xf32, #tpu.memory_space<vmem>>, vector<1x16xf32>,
      %broadcast_in_dim3A_253 = arith.constant 0.000000e+00 : f32
      %broadcast_in_dim3A_254 = vector.broadcast %broadcast_in_dim3A_253 : f32 to vector<16xf32>
      %swap3A_255 = arith.index_cast %scan3A_247 : i32 to index
      %swap3A_256 = arith.constant 16 : index
      %swap3A_257 = tpu.vector_load %arg8[%swap3A_255, %swap3A_256] {strides = array<i32>} : memref<80x128xf32, #tpu.memory_space<vmem>>, vector<1x16xf32>,
      %swap3A_258 = vector.shape_cast %swap3A_257 : vector<1x16xf32> to vector<16xf32>
      %swap3A_259 = vector.shape_cast %broadcast_in_dim3A_254 : vector<16xf32> to vector<1x16xf32>
      tpu.vector_store %arg8[%swap3A_255, %swap3A_256], %swap3A_259 {strides = array<i32>} : memref<80x128xf32, #tpu.memory_space<vmem>>, vector<1x16xf32>,
      %broadcast_in_dim3A_260 = arith.constant 0.000000e+00 : f32
      %broadcast_in_dim3A_261 = vector.broadcast %broadcast_in_dim3A_260 : f32 to vector<16xf32>
      %swap3A_262 = arith.index_cast %scan3A_247 : i32 to index
      %swap3A_263 = arith.constant 32 : index
      %swap3A_264 = tpu.vector_load %arg8[%swap3A_262, %swap3A_263] {strides = array<i32>} : memref<80x128xf32, #tpu.memory_space<vmem>>, vector<1x16xf32>,
      %swap3A_265 = vector.shape_cast %swap3A_264 : vector<1x16xf32> to vector<16xf32>
      %swap3A_266 = vector.shape_cast %broadcast_in_dim3A_261 : vector<16xf32> to vector<1x16xf32>
      tpu.vector_store %arg8[%swap3A_262, %swap3A_263], %swap3A_266 {strides = array<i32>} : memref<80x128xf32, #tpu.memory_space<vmem>>, vector<1x16xf32>,
      %broadcast_in_dim3A_267 = arith.constant 0.000000e+00 : f32
      %broadcast_in_dim3A_268 = vector.broadcast %broadcast_in_dim3A_267 : f32 to vector<16xf32>
      %swap3A_269 = arith.index_cast %scan3A_247 : i32 to index
      %swap3A_270 = arith.constant 48 : index
      %swap3A_271 = tpu.vector_load %arg8[%swap3A_269, %swap3A_270] {strides = array<i32>} : memref<80x128xf32, #tpu.memory_space<vmem>>, vector<1x16xf32>,
      %swap3A_272 = vector.shape_cast %swap3A_271 : vector<1x16xf32> to vector<16xf32>
      %swap3A_273 = vector.shape_cast %broadcast_in_dim3A_268 : vector<16xf32> to vector<1x16xf32>
      tpu.vector_store %arg8[%swap3A_269, %swap3A_270], %swap3A_273 {strides = array<i32>} : memref<80x128xf32, #tpu.memory_space<vmem>>, vector<1x16xf32>,
      %broadcast_in_dim3A_274 = arith.constant 0.000000e+00 : f32
      %broadcast_in_dim3A_275 = vector.broadcast %broadcast_in_dim3A_274 : f32 to vector<16xf32>
      %swap3A_276 = arith.index_cast %scan3A_247 : i32 to index
      %swap3A_277 = arith.constant 64 : index
      %swap3A_278 = tpu.vector_load %arg8[%swap3A_276, %swap3A_277] {strides = array<i32>} : memref<80x128xf32, #tpu.memory_space<vmem>>, vector<1x16xf32>,
      %swap3A_279 = vector.shape_cast %swap3A_278 : vector<1x16xf32> to vector<16xf32>
      %swap3A_280 = vector.shape_cast %broadcast_in_dim3A_275 : vector<16xf32> to vector<1x16xf32>
      tpu.vector_store %arg8[%swap3A_276, %swap3A_277], %swap3A_280 {strides = array<i32>} : memref<80x128xf32, #tpu.memory_space<vmem>>, vector<1x16xf32>,
      %broadcast_in_dim3A_281 = arith.constant 0.000000e+00 : f32
      %broadcast_in_dim3A_282 = vector.broadcast %broadcast_in_dim3A_281 : f32 to vector<16xf32>
      %swap3A_283 = arith.index_cast %scan3A_247 : i32 to index
      %swap3A_284 = arith.constant 80 : index
      %swap3A_285 = tpu.vector_load %arg8[%swap3A_283, %swap3A_284] {strides = array<i32>} : memref<80x128xf32, #tpu.memory_space<vmem>>, vector<1x16xf32>,
      %swap3A_286 = vector.shape_cast %swap3A_285 : vector<1x16xf32> to vector<16xf32>
      %swap3A_287 = vector.shape_cast %broadcast_in_dim3A_282 : vector<16xf32> to vector<1x16xf32>
      tpu.vector_store %arg8[%swap3A_283, %swap3A_284], %swap3A_287 {strides = array<i32>} : memref<80x128xf32, #tpu.memory_space<vmem>>, vector<1x16xf32>,
      %broadcast_in_dim3A_288 = arith.constant 0.000000e+00 : f32
      %broadcast_in_dim3A_289 = vector.broadcast %broadcast_in_dim3A_288 : f32 to vector<16xf32>
      %swap3A_290 = arith.index_cast %scan3A_247 : i32 to index
      %swap3A_291 = arith.constant 96 : index
      %swap3A_292 = tpu.vector_load %arg8[%swap3A_290, %swap3A_291] {strides = array<i32>} : memref<80x128xf32, #tpu.memory_space<vmem>>, vector<1x16xf32>,
      %swap3A_293 = vector.shape_cast %swap3A_292 : vector<1x16xf32> to vector<16xf32>
      %swap3A_294 = vector.shape_cast %broadcast_in_dim3A_289 : vector<16xf32> to vector<1x16xf32>
      tpu.vector_store %arg8[%swap3A_290, %swap3A_291], %swap3A_294 {strides = array<i32>} : memref<80x128xf32, #tpu.memory_space<vmem>>, vector<1x16xf32>,
      %broadcast_in_dim3A_295 = arith.constant 0.000000e+00 : f32
      %broadcast_in_dim3A_296 = vector.broadcast %broadcast_in_dim3A_295 : f32 to vector<16xf32>
      %swap3A_297 = arith.index_cast %scan3A_247 : i32 to index
      %swap3A_298 = arith.constant 112 : index
      %swap3A_299 = tpu.vector_load %arg8[%swap3A_297, %swap3A_298] {strides = array<i32>} : memref<80x128xf32, #tpu.memory_space<vmem>>, vector<1x16xf32>,
      %swap3A_300 = vector.shape_cast %swap3A_299 : vector<1x16xf32> to vector<16xf32>
      %swap3A_301 = vector.shape_cast %broadcast_in_dim3A_296 : vector<16xf32> to vector<1x16xf32>
      tpu.vector_store %arg8[%swap3A_297, %swap3A_298], %swap3A_301 {strides = array<i32>} : memref<80x128xf32, #tpu.memory_space<vmem>>, vector<1x16xf32>,
    }
    %scan3A_16 = arith.constant 80 : i32
    %mul3A_17 = arith.constant 624 : i32
    %mul3A_18 = arith.muli %arg1, %mul3A_17 : i32
    %add3A_19 = arith.constant 0 : i32
    %add3A_20 = arith.addi %mul3A_18, %add3A_19 : i32
    %dma_start3A_21 = arith.constant 0 : i32
    %dma_start3A_22 = tpu.memref_slice %arg10[%add3A_20, %dma_start3A_21] : memref<10000x128xf32, #tpu.memory_space<vmem_shared>> -> memref<80x128xf32, #tpu.memory_space<vmem_shared>>
    %dma_start3A_23 = arith.constant 0 : i32
    %dma_start3A_24 = tpu.memref_slice %arg10[%add3A_20, %dma_start3A_23] : memref<10000x128xf32, #tpu.memory_space<vmem_shared>> -> memref<80x128xf32, #tpu.memory_space<vmem_shared>>
    tpu.enqueue_dma source(%arg8 : memref<80x128xf32, #tpu.memory_space<vmem>>) target(%dma_start3A_24 : memref<80x128xf32, #tpu.memory_space<vmem_shared>>) target_semaphore(%arg13 : memref<!tpu.dma_semaphore, #tpu.memory_space<semaphore_mem>>)
    %mul3A_25 = arith.constant 624 : i32
    %mul3A_26 = arith.muli %arg1, %mul3A_25 : i32
    %add3A_27 = arith.constant 80 : i32
    %add3A_28 = arith.addi %mul3A_26, %add3A_27 : i32
    %dma_start3A_29 = arith.constant 0 : i32
    %dma_start3A_30 = tpu.memref_slice %arg10[%add3A_28, %dma_start3A_29] : memref<10000x128xf32, #tpu.memory_space<vmem_shared>> -> memref<80x128xf32, #tpu.memory_space<vmem_shared>>
    %dma_start3A_31 = arith.constant 0 : i32
    %dma_start3A_32 = tpu.memref_slice %arg10[%add3A_28, %dma_start3A_31] : memref<10000x128xf32, #tpu.memory_space<vmem_shared>> -> memref<80x128xf32, #tpu.memory_space<vmem_shared>>
    tpu.enqueue_dma source(%arg8 : memref<80x128xf32, #tpu.memory_space<vmem>>) target(%dma_start3A_32 : memref<80x128xf32, #tpu.memory_space<vmem_shared>>) target_semaphore(%arg13 : memref<!tpu.dma_semaphore, #tpu.memory_space<semaphore_mem>>)
    %mul3A_33 = arith.constant 624 : i32
    %mul3A_34 = arith.muli %arg1, %mul3A_33 : i32
    %add3A_35 = arith.constant 160 : i32
    %add3A_36 = arith.addi %mul3A_34, %add3A_35 : i32
    %dma_start3A_37 = arith.constant 0 : i32
    %dma_start3A_38 = tpu.memref_slice %arg10[%add3A_36, %dma_start3A_37] : memref<10000x128xf32, #tpu.memory_space<vmem_shared>> -> memref<80x128xf32, #tpu.memory_space<vmem_shared>>
    %dma_start3A_39 = arith.constant 0 : i32
    %dma_start3A_40 = tpu.memref_slice %arg10[%add3A_36, %dma_start3A_39] : memref<10000x128xf32, #tpu.memory_space<vmem_shared>> -> memref<80x128xf32, #tpu.memory_space<vmem_shared>>
    tpu.enqueue_dma source(%arg8 : memref<80x128xf32, #tpu.memory_space<vmem>>) target(%dma_start3A_40 : memref<80x128xf32, #tpu.memory_space<vmem_shared>>) target_semaphore(%arg13 : memref<!tpu.dma_semaphore, #tpu.memory_space<semaphore_mem>>)
    %mul3A_41 = arith.constant 624 : i32
    %mul3A_42 = arith.muli %arg1, %mul3A_41 : i32
    %add3A_43 = arith.constant 240 : i32
    %add3A_44 = arith.addi %mul3A_42, %add3A_43 : i32
    %dma_start3A_45 = arith.constant 0 : i32
    %dma_start3A_46 = tpu.memref_slice %arg10[%add3A_44, %dma_start3A_45] : memref<10000x128xf32, #tpu.memory_space<vmem_shared>> -> memref<80x128xf32, #tpu.memory_space<vmem_shared>>
    %dma_start3A_47 = arith.constant 0 : i32
    %dma_start3A_48 = tpu.memref_slice %arg10[%add3A_44, %dma_start3A_47] : memref<10000x128xf32, #tpu.memory_space<vmem_shared>> -> memref<80x128xf32, #tpu.memory_space<vmem_shared>>
    tpu.enqueue_dma source(%arg8 : memref<80x128xf32, #tpu.memory_space<vmem>>) target(%dma_start3A_48 : memref<80x128xf32, #tpu.memory_space<vmem_shared>>) target_semaphore(%arg13 : memref<!tpu.dma_semaphore, #tpu.memory_space<semaphore_mem>>)
    %mul3A_49 = arith.constant 624 : i32
    %mul3A_50 = arith.muli %arg1, %mul3A_49 : i32
    %add3A_51 = arith.constant 320 : i32
    %add3A_52 = arith.addi %mul3A_50, %add3A_51 : i32
    %dma_start3A_53 = arith.constant 0 : i32
    %dma_start3A_54 = tpu.memref_slice %arg10[%add3A_52, %dma_start3A_53] : memref<10000x128xf32, #tpu.memory_space<vmem_shared>> -> memref<80x128xf32, #tpu.memory_space<vmem_shared>>
    %dma_start3A_55 = arith.constant 0 : i32
    %dma_start3A_56 = tpu.memref_slice %arg10[%add3A_52, %dma_start3A_55] : memref<10000x128xf32, #tpu.memory_space<vmem_shared>> -> memref<80x128xf32, #tpu.memory_space<vmem_shared>>
    tpu.enqueue_dma source(%arg8 : memref<80x128xf32, #tpu.memory_space<vmem>>) target(%dma_start3A_56 : memref<80x128xf32, #tpu.memory_space<vmem_shared>>) target_semaphore(%arg13 : memref<!tpu.dma_semaphore, #tpu.memory_space<semaphore_mem>>)
    %mul3A_57 = arith.constant 624 : i32
    %mul3A_58 = arith.muli %arg1, %mul3A_57 : i32
    %add3A_59 = arith.constant 400 : i32
    %add3A_60 = arith.addi %mul3A_58, %add3A_59 : i32
    %dma_start3A_61 = arith.constant 0 : i32
    %dma_start3A_62 = tpu.memref_slice %arg10[%add3A_60, %dma_start3A_61] : memref<10000x128xf32, #tpu.memory_space<vmem_shared>> -> memref<80x128xf32, #tpu.memory_space<vmem_shared>>
    %dma_start3A_63 = arith.constant 0 : i32
    %dma_start3A_64 = tpu.memref_slice %arg10[%add3A_60, %dma_start3A_63] : memref<10000x128xf32, #tpu.memory_space<vmem_shared>> -> memref<80x128xf32, #tpu.memory_space<vmem_shared>>
    tpu.enqueue_dma source(%arg8 : memref<80x128xf32, #tpu.memory_space<vmem>>) target(%dma_start3A_64 : memref<80x128xf32, #tpu.memory_space<vmem_shared>>) target_semaphore(%arg13 : memref<!tpu.dma_semaphore, #tpu.memory_space<semaphore_mem>>)
    %mul3A_65 = arith.constant 624 : i32
    %mul3A_66 = arith.muli %arg1, %mul3A_65 : i32
    %add3A_67 = arith.constant 480 : i32
    %add3A_68 = arith.addi %mul3A_66, %add3A_67 : i32
    %dma_start3A_69 = arith.constant 0 : i32
    %dma_start3A_70 = tpu.memref_slice %arg10[%add3A_68, %dma_start3A_69] : memref<10000x128xf32, #tpu.memory_space<vmem_shared>> -> memref<80x128xf32, #tpu.memory_space<vmem_shared>>
    %dma_start3A_71 = arith.constant 0 : i32
    %dma_start3A_72 = tpu.memref_slice %arg10[%add3A_68, %dma_start3A_71] : memref<10000x128xf32, #tpu.memory_space<vmem_shared>> -> memref<80x128xf32, #tpu.memory_space<vmem_shared>>
    tpu.enqueue_dma source(%arg8 : memref<80x128xf32, #tpu.memory_space<vmem>>) target(%dma_start3A_72 : memref<80x128xf32, #tpu.memory_space<vmem_shared>>) target_semaphore(%arg13 : memref<!tpu.dma_semaphore, #tpu.memory_space<semaphore_mem>>)
    %mul3A_73 = arith.constant 624 : i32
    %mul3A_74 = arith.muli %arg1, %mul3A_73 : i32
    %add3A_75 = arith.constant 624 : i32
    %add3A_76 = arith.addi %mul3A_74, %add3A_75 : i32
    %sub3A = arith.constant 64 : i32
    %sub3A_77 = arith.subi %add3A_76, %sub3A : i32
    %dma_start3A_78 = arith.constant 0 : i32
    %dma_start3A_79 = arith.constant 0 : i32
    %dma_start3A_80 = tpu.memref_slice %arg8[%dma_start3A_78, %dma_start3A_79] : memref<80x128xf32, #tpu.memory_space<vmem>> -> memref<64x128xf32, #tpu.memory_space<vmem>>
    %dma_start3A_81 = arith.constant 0 : i32
    %dma_start3A_82 = tpu.memref_slice %arg10[%sub3A_77, %dma_start3A_81] : memref<10000x128xf32, #tpu.memory_space<vmem_shared>> -> memref<64x128xf32, #tpu.memory_space<vmem_shared>>
    %dma_start3A_83 = arith.constant 0 : i32
    %dma_start3A_84 = tpu.memref_slice %arg10[%sub3A_77, %dma_start3A_83] : memref<10000x128xf32, #tpu.memory_space<vmem_shared>> -> memref<64x128xf32, #tpu.memory_space<vmem_shared>>
    %dma_start3A_85 = arith.constant 0 : i32
    %dma_start3A_86 = arith.constant 0 : i32
    %dma_start3A_87 = tpu.memref_slice %arg8[%dma_start3A_85, %dma_start3A_86] : memref<80x128xf32, #tpu.memory_space<vmem>> -> memref<64x128xf32, #tpu.memory_space<vmem>>
    tpu.enqueue_dma source(%dma_start3A_87 : memref<64x128xf32, #tpu.memory_space<vmem>>) target(%dma_start3A_84 : memref<64x128xf32, #tpu.memory_space<vmem_shared>>) target_semaphore(%arg14 : memref<!tpu.dma_semaphore, #tpu.memory_space<semaphore_mem>>)
    %eq3A = arith.constant 0 : i32
    %eq3A_88 = arith.cmpi eq, %arg1, %eq3A : i32
    %convert_element_type3A = arith.extui %eq3A_88 : i1 to i32
    %cond3A = arith.constant 0 : i32
    %cond3A_89 = arith.cmpi ne, %convert_element_type3A, %cond3A : i32
    scf.if %cond3A_89 {
      "tpu.region"() ({
        %run_scoped3A = tpu.sem_alloc : memref<!tpu.dma_semaphore, #tpu.memory_space<semaphore_mem>>
        %dma_start3A_247 = arith.constant 0 : i32
        %dma_start3A_248 = arith.constant 0 : i32
        %dma_start3A_249 = tpu.memref_slice %arg8[%dma_start3A_247, %dma_start3A_248] : memref<80x128xf32, #tpu.memory_space<vmem>> -> memref<16x128xf32, #tpu.memory_space<vmem>>
        %dma_start3A_250 = arith.constant 9984 : i32
        %dma_start3A_251 = arith.constant 0 : i32
        %dma_start3A_252 = tpu.memref_slice %arg10[%dma_start3A_250, %dma_start3A_251] : memref<10000x128xf32, #tpu.memory_space<vmem_shared>> -> memref<16x128xf32, #tpu.memory_space<vmem_shared>>
        %dma_start3A_253 = arith.constant 9984 : i32
        %dma_start3A_254 = arith.constant 0 : i32
        %dma_start3A_255 = tpu.memref_slice %arg10[%dma_start3A_253, %dma_start3A_254] : memref<10000x128xf32, #tpu.memory_space<vmem_shared>> -> memref<16x128xf32, #tpu.memory_space<vmem_shared>>
        %dma_start3A_256 = arith.constant 0 : i32
        %dma_start3A_257 = arith.constant 0 : i32
        %dma_start3A_258 = tpu.memref_slice %arg8[%dma_start3A_256, %dma_start3A_257] : memref<80x128xf32, #tpu.memory_space<vmem>> -> memref<16x128xf32, #tpu.memory_space<vmem>>
        tpu.enqueue_dma source(%dma_start3A_258 : memref<16x128xf32, #tpu.memory_space<vmem>>) target(%dma_start3A_255 : memref<16x128xf32, #tpu.memory_space<vmem_shared>>) target_semaphore(%run_scoped3A : memref<!tpu.dma_semaphore, #tpu.memory_space<semaphore_mem>>)
        %dma_wait3A_259 = arith.constant 0 : i32
        %dma_wait3A_260 = arith.constant 0 : i32
        %dma_wait3A_261 = tpu.memref_slice %arg8[%dma_wait3A_259, %dma_wait3A_260] : memref<80x128xf32, #tpu.memory_space<vmem>> -> memref<16x128xf32, #tpu.memory_space<vmem>>
        %dma_wait3A_262 = arith.constant 9984 : i32
        %dma_wait3A_263 = arith.constant 0 : i32
        %dma_wait3A_264 = tpu.memref_slice %arg10[%dma_wait3A_262, %dma_wait3A_263] : memref<10000x128xf32, #tpu.memory_space<vmem_shared>> -> memref<16x128xf32, #tpu.memory_space<vmem_shared>>
        %dma_wait3A_265 = arith.constant 9984 : i32
        %dma_wait3A_266 = arith.constant 0 : i32
        %dma_wait3A_267 = tpu.memref_slice %arg10[%dma_wait3A_265, %dma_wait3A_266] : memref<10000x128xf32, #tpu.memory_space<vmem_shared>> -> memref<16x128xf32, #tpu.memory_space<vmem_shared>>
        %dma_wait3A_268 = arith.constant 0 : i32
        %dma_wait3A_269 = arith.constant 0 : i32
        %dma_wait3A_270 = tpu.memref_slice %arg8[%dma_wait3A_268, %dma_wait3A_269] : memref<80x128xf32, #tpu.memory_space<vmem>> -> memref<16x128xf32, #tpu.memory_space<vmem>>
        tpu.wait_dma2 semaphore(%run_scoped3A : memref<!tpu.dma_semaphore, #tpu.memory_space<semaphore_mem>>) src(%dma_wait3A_270 : memref<16x128xf32, #tpu.memory_space<vmem>>) dst(%dma_wait3A_267 : memref<16x128xf32, #tpu.memory_space<vmem_shared>>)
        tpu.yield
      }) : () -> ()
    } else {
    }
    %dma_wait3A = arith.constant 0 : i32
    %dma_wait3A_90 = tpu.memref_slice %arg3[%dma_wait3A] : memref<320000xi32, #tpu.memory_space<hbm>> -> memref<10000xi32, #tpu.memory_space<hbm>>
    %dma_wait3A_91 = arith.constant 0 : i32
    %dma_wait3A_92 = tpu.memref_slice %arg3[%dma_wait3A_91] : memref<320000xi32, #tpu.memory_space<hbm>> -> memref<10000xi32, #tpu.memory_space<hbm>>
    tpu.wait_dma2 semaphore(%arg11 : memref<!tpu.dma_semaphore, #tpu.memory_space<semaphore_mem>>) src(%dma_wait3A_92 : memref<10000xi32, #tpu.memory_space<hbm>>) dst(%arg6 : memref<10000xi32, #tpu.memory_space<vmem>>)
    %dma_wait3A_93 = arith.constant 0 : i32
    %dma_wait3A_94 = arith.constant 0 : i32
    %dma_wait3A_95 = arith.constant 0 : i32
    %dma_wait3A_96 = tpu.memref_slice %arg4[%dma_wait3A_93, %dma_wait3A_94, %dma_wait3A_95] : memref<32x125x80xi32, #tpu.memory_space<hbm>> -> memref<1x125x80xi32, #tpu.memory_space<hbm>>
    %dma_wait3A_97 = tpu.memref_squeeze %dma_wait3A_96 : memref<1x125x80xi32, #tpu.memory_space<hbm>> -> memref<125x80xi32, #tpu.memory_space<hbm>>
    %dma_wait3A_98 = arith.constant 0 : i32
    %dma_wait3A_99 = arith.constant 0 : i32
    %dma_wait3A_100 = tpu.memref_slice %arg4[%dma_wait3A_93, %dma_wait3A_98, %dma_wait3A_99] : memref<32x125x80xi32, #tpu.memory_space<hbm>> -> memref<1x125x80xi32, #tpu.memory_space<hbm>>
    %dma_wait3A_101 = tpu.memref_squeeze %dma_wait3A_100 : memref<1x125x80xi32, #tpu.memory_space<hbm>> -> memref<125x80xi32, #tpu.memory_space<hbm>>
    tpu.wait_dma2 semaphore(%arg12 : memref<!tpu.dma_semaphore, #tpu.memory_space<semaphore_mem>>) src(%dma_wait3A_101 : memref<125x80xi32, #tpu.memory_space<hbm>>) dst(%arg7 : memref<125x80xi32, #tpu.memory_space<vmem>>)
    %dma_wait3A_102 = arith.constant 0 : i32
    %dma_wait3A_103 = arith.constant 0 : i32
    %dma_wait3A_104 = tpu.memref_slice %arg10[%dma_wait3A_102, %dma_wait3A_103] : memref<10000x128xf32, #tpu.memory_space<vmem_shared>> -> memref<80x128xf32, #tpu.memory_space<vmem_shared>>
    %dma_wait3A_105 = arith.constant 0 : i32
    %dma_wait3A_106 = arith.constant 0 : i32
    %dma_wait3A_107 = tpu.memref_slice %arg10[%dma_wait3A_105, %dma_wait3A_106] : memref<10000x128xf32, #tpu.memory_space<vmem_shared>> -> memref<80x128xf32, #tpu.memory_space<vmem_shared>>
    tpu.wait_dma2 semaphore(%arg13 : memref<!tpu.dma_semaphore, #tpu.memory_space<semaphore_mem>>) src(%arg8 : memref<80x128xf32, #tpu.memory_space<vmem>>) dst(%dma_wait3A_107 : memref<80x128xf32, #tpu.memory_space<vmem_shared>>)
    %dma_wait3A_108 = arith.constant 0 : i32
    %dma_wait3A_109 = arith.constant 0 : i32
    %dma_wait3A_110 = tpu.memref_slice %arg10[%dma_wait3A_108, %dma_wait3A_109] : memref<10000x128xf32, #tpu.memory_space<vmem_shared>> -> memref<80x128xf32, #tpu.memory_space<vmem_shared>>
    %dma_wait3A_111 = arith.constant 0 : i32
    %dma_wait3A_112 = arith.constant 0 : i32
    %dma_wait3A_113 = tpu.memref_slice %arg10[%dma_wait3A_111, %dma_wait3A_112] : memref<10000x128xf32, #tpu.memory_space<vmem_shared>> -> memref<80x128xf32, #tpu.memory_space<vmem_shared>>
    tpu.wait_dma2 semaphore(%arg13 : memref<!tpu.dma_semaphore, #tpu.memory_space<semaphore_mem>>) src(%arg8 : memref<80x128xf32, #tpu.memory_space<vmem>>) dst(%dma_wait3A_113 : memref<80x128xf32, #tpu.memory_space<vmem_shared>>)
    %dma_wait3A_114 = arith.constant 0 : i32
    %dma_wait3A_115 = arith.constant 0 : i32
    %dma_wait3A_116 = tpu.memref_slice %arg10[%dma_wait3A_114, %dma_wait3A_115] : memref<10000x128xf32, #tpu.memory_space<vmem_shared>> -> memref<80x128xf32, #tpu.memory_space<vmem_shared>>
    %dma_wait3A_117 = arith.constant 0 : i32
    %dma_wait3A_118 = arith.constant 0 : i32
    %dma_wait3A_119 = tpu.memref_slice %arg10[%dma_wait3A_117, %dma_wait3A_118] : memref<10000x128xf32, #tpu.memory_space<vmem_shared>> -> memref<80x128xf32, #tpu.memory_space<vmem_shared>>
    tpu.wait_dma2 semaphore(%arg13 : memref<!tpu.dma_semaphore, #tpu.memory_space<semaphore_mem>>) src(%arg8 : memref<80x128xf32, #tpu.memory_space<vmem>>) dst(%dma_wait3A_119 : memref<80x128xf32, #tpu.memory_space<vmem_shared>>)
    %dma_wait3A_120 = arith.constant 0 : i32
    %dma_wait3A_121 = arith.constant 0 : i32
    %dma_wait3A_122 = tpu.memref_slice %arg10[%dma_wait3A_120, %dma_wait3A_121] : memref<10000x128xf32, #tpu.memory_space<vmem_shared>> -> memref<80x128xf32, #tpu.memory_space<vmem_shared>>
    %dma_wait3A_123 = arith.constant 0 : i32
    %dma_wait3A_124 = arith.constant 0 : i32
    %dma_wait3A_125 = tpu.memref_slice %arg10[%dma_wait3A_123, %dma_wait3A_124] : memref<10000x128xf32, #tpu.memory_space<vmem_shared>> -> memref<80x128xf32, #tpu.memory_space<vmem_shared>>
    tpu.wait_dma2 semaphore(%arg13 : memref<!tpu.dma_semaphore, #tpu.memory_space<semaphore_mem>>) src(%arg8 : memref<80x128xf32, #tpu.memory_space<vmem>>) dst(%dma_wait3A_125 : memref<80x128xf32, #tpu.memory_space<vmem_shared>>)
    %dma_wait3A_126 = arith.constant 0 : i32
    %dma_wait3A_127 = arith.constant 0 : i32
    %dma_wait3A_128 = tpu.memref_slice %arg10[%dma_wait3A_126, %dma_wait3A_127] : memref<10000x128xf32, #tpu.memory_space<vmem_shared>> -> memref<80x128xf32, #tpu.memory_space<vmem_shared>>
    %dma_wait3A_129 = arith.constant 0 : i32
    %dma_wait3A_130 = arith.constant 0 : i32
    %dma_wait3A_131 = tpu.memref_slice %arg10[%dma_wait3A_129, %dma_wait3A_130] : memref<10000x128xf32, #tpu.memory_space<vmem_shared>> -> memref<80x128xf32, #tpu.memory_space<vmem_shared>>
    tpu.wait_dma2 semaphore(%arg13 : memref<!tpu.dma_semaphore, #tpu.memory_space<semaphore_mem>>) src(%arg8 : memref<80x128xf32, #tpu.memory_space<vmem>>) dst(%dma_wait3A_131 : memref<80x128xf32, #tpu.memory_space<vmem_shared>>)
    %dma_wait3A_132 = arith.constant 0 : i32
    %dma_wait3A_133 = arith.constant 0 : i32
    %dma_wait3A_134 = tpu.memref_slice %arg10[%dma_wait3A_132, %dma_wait3A_133] : memref<10000x128xf32, #tpu.memory_space<vmem_shared>> -> memref<80x128xf32, #tpu.memory_space<vmem_shared>>
    %dma_wait3A_135 = arith.constant 0 : i32
    %dma_wait3A_136 = arith.constant 0 : i32
    %dma_wait3A_137 = tpu.memref_slice %arg10[%dma_wait3A_135, %dma_wait3A_136] : memref<10000x128xf32, #tpu.memory_space<vmem_shared>> -> memref<80x128xf32, #tpu.memory_space<vmem_shared>>
    tpu.wait_dma2 semaphore(%arg13 : memref<!tpu.dma_semaphore, #tpu.memory_space<semaphore_mem>>) src(%arg8 : memref<80x128xf32, #tpu.memory_space<vmem>>) dst(%dma_wait3A_137 : memref<80x128xf32, #tpu.memory_space<vmem_shared>>)
    %dma_wait3A_138 = arith.constant 0 : i32
    %dma_wait3A_139 = arith.constant 0 : i32
    %dma_wait3A_140 = tpu.memref_slice %arg10[%dma_wait3A_138, %dma_wait3A_139] : memref<10000x128xf32, #tpu.memory_space<vmem_shared>> -> memref<80x128xf32, #tpu.memory_space<vmem_shared>>
    %dma_wait3A_141 = arith.constant 0 : i32
    %dma_wait3A_142 = arith.constant 0 : i32
    %dma_wait3A_143 = tpu.memref_slice %arg10[%dma_wait3A_141, %dma_wait3A_142] : memref<10000x128xf32, #tpu.memory_space<vmem_shared>> -> memref<80x128xf32, #tpu.memory_space<vmem_shared>>
    tpu.wait_dma2 semaphore(%arg13 : memref<!tpu.dma_semaphore, #tpu.memory_space<semaphore_mem>>) src(%arg8 : memref<80x128xf32, #tpu.memory_space<vmem>>) dst(%dma_wait3A_143 : memref<80x128xf32, #tpu.memory_space<vmem_shared>>)
    %dma_wait3A_144 = arith.constant 0 : i32
    %dma_wait3A_145 = arith.constant 0 : i32
    %dma_wait3A_146 = tpu.memref_slice %arg8[%dma_wait3A_144, %dma_wait3A_145] : memref<80x128xf32, #tpu.memory_space<vmem>> -> memref<64x128xf32, #tpu.memory_space<vmem>>
    %dma_wait3A_147 = arith.constant 0 : i32
    %dma_wait3A_148 = arith.constant 0 : i32
    %dma_wait3A_149 = tpu.memref_slice %arg10[%dma_wait3A_147, %dma_wait3A_148] : memref<10000x128xf32, #tpu.memory_space<vmem_shared>> -> memref<64x128xf32, #tpu.memory_space<vmem_shared>>
    %dma_wait3A_150 = arith.constant 0 : i32
    %dma_wait3A_151 = arith.constant 0 : i32
    %dma_wait3A_152 = tpu.memref_slice %arg10[%dma_wait3A_150, %dma_wait3A_151] : memref<10000x128xf32, #tpu.memory_space<vmem_shared>> -> memref<64x128xf32, #tpu.memory_space<vmem_shared>>
    %dma_wait3A_153 = arith.constant 0 : i32
    %dma_wait3A_154 = arith.constant 0 : i32
    %dma_wait3A_155 = tpu.memref_slice %arg8[%dma_wait3A_153, %dma_wait3A_154] : memref<80x128xf32, #tpu.memory_space<vmem>> -> memref<64x128xf32, #tpu.memory_space<vmem>>
    tpu.wait_dma2 semaphore(%arg14 : memref<!tpu.dma_semaphore, #tpu.memory_space<semaphore_mem>>) src(%dma_wait3A_155 : memref<64x128xf32, #tpu.memory_space<vmem>>) dst(%dma_wait3A_152 : memref<64x128xf32, #tpu.memory_space<vmem_shared>>)
    %barrier3A = arith.constant 0 : index
    tpu.barrier barrier_id(%barrier3A)
    %dma_start3A_156 = arith.constant 0 : i32
    %dma_start3A_157 = tpu.memref_slice %arg6[%dma_start3A_156] : memref<10000xi32, #tpu.memory_space<vmem>> -> memref<80xi32, #tpu.memory_space<vmem>>
    %dma_start3A_158 = arith.constant 0 : i32
    %dma_start3A_159 = arith.constant 0 : i32
    %dma_start3A_160 = tpu.memref_slice %arg2[%dma_start3A_158, %dma_start3A_159] : memref<10000x128xf32, #tpu.memory_space<hbm>> -> memref<10000x128xf32, #tpu.memory_space<hbm>>
    tpu.enqueue_indirect_dma source(%dma_start3A_160 : memref<10000x128xf32, #tpu.memory_space<hbm>>) target(%arg8 : memref<80x128xf32, #tpu.memory_space<vmem>>) offsets(%dma_start3A_157 : memref<80xi32, #tpu.memory_space<vmem>>) semaphore(%arg11 : memref<!tpu.dma_semaphore, #tpu.memory_space<semaphore_mem>>)
    %dma_start3A_161 = arith.constant 80 : i32
    %dma_start3A_162 = tpu.memref_slice %arg6[%dma_start3A_161] : memref<10000xi32, #tpu.memory_space<vmem>> -> memref<80xi32, #tpu.memory_space<vmem>>
    %dma_start3A_163 = arith.constant 0 : i32
    %dma_start3A_164 = arith.constant 0 : i32
    %dma_start3A_165 = tpu.memref_slice %arg2[%dma_start3A_163, %dma_start3A_164] : memref<10000x128xf32, #tpu.memory_space<hbm>> -> memref<10000x128xf32, #tpu.memory_space<hbm>>
    tpu.enqueue_indirect_dma source(%dma_start3A_165 : memref<10000x128xf32, #tpu.memory_space<hbm>>) target(%arg9 : memref<80x128xf32, #tpu.memory_space<vmem>>) offsets(%dma_start3A_162 : memref<80xi32, #tpu.memory_space<vmem>>) semaphore(%arg12 : memref<!tpu.dma_semaphore, #tpu.memory_space<semaphore_mem>>)
    %dma_wait3A_166 = arith.constant 0 : i32
    %dma_wait3A_167 = tpu.memref_slice %arg6[%dma_wait3A_166] : memref<10000xi32, #tpu.memory_space<vmem>> -> memref<80xi32, #tpu.memory_space<vmem>>
    %dma_wait3A_168 = arith.constant 0 : i32
    %dma_wait3A_169 = arith.constant 0 : i32
    %dma_wait3A_170 = tpu.memref_slice %arg2[%dma_wait3A_168, %dma_wait3A_169] : memref<10000x128xf32, #tpu.memory_space<hbm>> -> memref<10000x128xf32, #tpu.memory_space<hbm>>
    tpu.wait_indirect_dma semaphore(%arg11 : memref<!tpu.dma_semaphore, #tpu.memory_space<semaphore_mem>>) src(%dma_wait3A_170 : memref<10000x128xf32, #tpu.memory_space<hbm>>) dst(%arg8 : memref<80x128xf32, #tpu.memory_space<vmem>>)
    %dma_start3A_171 = arith.constant 0 : i32
    %dma_start3A_172 = arith.constant 0 : i32
    %dma_start3A_173 = tpu.memref_slice %arg7[%dma_start3A_171, %dma_start3A_172] : memref<125x80xi32, #tpu.memory_space<vmem>> -> memref<1x80xi32, #tpu.memory_space<vmem>>
    %dma_start3A_174 = tpu.memref_squeeze %dma_start3A_173 : memref<1x80xi32, #tpu.memory_space<vmem>> -> memref<80xi32, #tpu.memory_space<vmem>>
    %dma_start3A_175 = arith.constant 0 : i32
    %dma_start3A_176 = arith.constant 0 : i32
    %dma_start3A_177 = tpu.memref_slice %arg10[%dma_start3A_175, %dma_start3A_176] : memref<10000x128xf32, #tpu.memory_space<vmem_shared>> -> memref<10000x128xf32, #tpu.memory_space<vmem_shared>>
    tpu.enqueue_indirect_dma source(%arg8 : memref<80x128xf32, #tpu.memory_space<vmem>>) target(%dma_start3A_177 : memref<10000x128xf32, #tpu.memory_space<vmem_shared>>) offsets(%dma_start3A_174 : memref<80xi32, #tpu.memory_space<vmem>>) semaphore(%arg13 : memref<!tpu.dma_semaphore, #tpu.memory_space<semaphore_mem>>) {add = true}
    %dma_wait3A_178 = arith.constant 0 : i32
    %dma_wait3A_179 = tpu.memref_slice %arg6[%dma_wait3A_178] : memref<10000xi32, #tpu.memory_space<vmem>> -> memref<80xi32, #tpu.memory_space<vmem>>
    %dma_wait3A_180 = arith.constant 0 : i32
    %dma_wait3A_181 = arith.constant 0 : i32
    %dma_wait3A_182 = tpu.memref_slice %arg2[%dma_wait3A_180, %dma_wait3A_181] : memref<10000x128xf32, #tpu.memory_space<hbm>> -> memref<10000x128xf32, #tpu.memory_space<hbm>>
    tpu.wait_indirect_dma semaphore(%arg12 : memref<!tpu.dma_semaphore, #tpu.memory_space<semaphore_mem>>) src(%dma_wait3A_182 : memref<10000x128xf32, #tpu.memory_space<hbm>>) dst(%arg9 : memref<80x128xf32, #tpu.memory_space<vmem>>)
    %dma_start3A_183 = arith.constant 1 : i32
    %dma_start3A_184 = arith.constant 0 : i32
    %dma_start3A_185 = tpu.memref_slice %arg7[%dma_start3A_183, %dma_start3A_184] : memref<125x80xi32, #tpu.memory_space<vmem>> -> memref<1x80xi32, #tpu.memory_space<vmem>>
    %dma_start3A_186 = tpu.memref_squeeze %dma_start3A_185 : memref<1x80xi32, #tpu.memory_space<vmem>> -> memref<80xi32, #tpu.memory_space<vmem>>
    %dma_start3A_187 = arith.constant 0 : i32
    %dma_start3A_188 = arith.constant 0 : i32
    %dma_start3A_189 = tpu.memref_slice %arg10[%dma_start3A_187, %dma_start3A_188] : memref<10000x128xf32, #tpu.memory_space<vmem_shared>> -> memref<10000x128xf32, #tpu.memory_space<vmem_shared>>
    tpu.enqueue_indirect_dma source(%arg9 : memref<80x128xf32, #tpu.memory_space<vmem>>) target(%dma_start3A_189 : memref<10000x128xf32, #tpu.memory_space<vmem_shared>>) offsets(%dma_start3A_186 : memref<80xi32, #tpu.memory_space<vmem>>) semaphore(%arg14 : memref<!tpu.dma_semaphore, #tpu.memory_space<semaphore_mem>>) {add = true}
    %scan3A_190 = arith.constant 0 : i32
    %scan3A_191 = arith.constant 1 : i32
    %scan3A_192 = arith.constant 61 : i32
    %scan3A_193 = arith.addi %scan3A_191, %scan3A_192 : i32
    %scan3A_194 = arith.constant 1 : i32
    scf.for %scan3A_247 = %scan3A_191 to %scan3A_193 step %scan3A_194  : i32 {
      %mul3A_248 = arith.constant 2 : i32
      %mul3A_249 = arith.muli %mul3A_248, %scan3A_247 : i32
      %dma_wait3A_250 = arith.constant 0 : i32
      %dma_wait3A_251 = arith.constant 0 : i32
      %dma_wait3A_252 = tpu.memref_slice %arg7[%dma_wait3A_250, %dma_wait3A_251] : memref<125x80xi32, #tpu.memory_space<vmem>> -> memref<1x80xi32, #tpu.memory_space<vmem>>
      %dma_wait3A_253 = tpu.memref_squeeze %dma_wait3A_252 : memref<1x80xi32, #tpu.memory_space<vmem>> -> memref<80xi32, #tpu.memory_space<vmem>>
      %dma_wait3A_254 = arith.constant 0 : i32
      %dma_wait3A_255 = arith.constant 0 : i32
      %dma_wait3A_256 = tpu.memref_slice %arg10[%dma_wait3A_254, %dma_wait3A_255] : memref<10000x128xf32, #tpu.memory_space<vmem_shared>> -> memref<10000x128xf32, #tpu.memory_space<vmem_shared>>
      tpu.wait_indirect_dma semaphore(%arg13 : memref<!tpu.dma_semaphore, #tpu.memory_space<semaphore_mem>>) src(%arg8 : memref<80x128xf32, #tpu.memory_space<vmem>>) dst(%dma_wait3A_256 : memref<10000x128xf32, #tpu.memory_space<vmem_shared>>)
      %add3A_257 = arith.constant 0 : i32
      %add3A_258 = arith.addi %mul3A_249, %add3A_257 : i32
      %mul3A_259 = arith.constant 80 : i32
      %mul3A_260 = arith.muli %add3A_258, %mul3A_259 : i32
      %dma_start3A_261 = tpu.memref_slice %arg6[%mul3A_260] : memref<10000xi32, #tpu.memory_space<vmem>> -> memref<80xi32, #tpu.memory_space<vmem>>
      %dma_start3A_262 = arith.constant 0 : i32
      %dma_start3A_263 = arith.constant 0 : i32
      %dma_start3A_264 = tpu.memref_slice %arg2[%dma_start3A_262, %dma_start3A_263] : memref<10000x128xf32, #tpu.memory_space<hbm>> -> memref<10000x128xf32, #tpu.memory_space<hbm>>
      tpu.enqueue_indirect_dma source(%dma_start3A_264 : memref<10000x128xf32, #tpu.memory_space<hbm>>) target(%arg8 : memref<80x128xf32, #tpu.memory_space<vmem>>) offsets(%dma_start3A_261 : memref<80xi32, #tpu.memory_space<vmem>>) semaphore(%arg11 : memref<!tpu.dma_semaphore, #tpu.memory_space<semaphore_mem>>)
      %dma_wait3A_265 = arith.constant 0 : i32
      %dma_wait3A_266 = arith.constant 0 : i32
      %dma_wait3A_267 = tpu.memref_slice %arg7[%dma_wait3A_265, %dma_wait3A_266] : memref<125x80xi32, #tpu.memory_space<vmem>> -> memref<1x80xi32, #tpu.memory_space<vmem>>
      %dma_wait3A_268 = tpu.memref_squeeze %dma_wait3A_267 : memref<1x80xi32, #tpu.memory_space<vmem>> -> memref<80xi32, #tpu.memory_space<vmem>>
      %dma_wait3A_269 = arith.constant 0 : i32
      %dma_wait3A_270 = arith.constant 0 : i32
      %dma_wait3A_271 = tpu.memref_slice %arg10[%dma_wait3A_269, %dma_wait3A_270] : memref<10000x128xf32, #tpu.memory_space<vmem_shared>> -> memref<10000x128xf32, #tpu.memory_space<vmem_shared>>
      tpu.wait_indirect_dma semaphore(%arg14 : memref<!tpu.dma_semaphore, #tpu.memory_space<semaphore_mem>>) src(%arg9 : memref<80x128xf32, #tpu.memory_space<vmem>>) dst(%dma_wait3A_271 : memref<10000x128xf32, #tpu.memory_space<vmem_shared>>)
      %add3A_272 = arith.constant 1 : i32
      %add3A_273 = arith.addi %mul3A_249, %add3A_272 : i32
      %mul3A_274 = arith.constant 80 : i32
      %mul3A_275 = arith.muli %add3A_273, %mul3A_274 : i32
      %dma_start3A_276 = tpu.memref_slice %arg6[%mul3A_275] : memref<10000xi32, #tpu.memory_space<vmem>> -> memref<80xi32, #tpu.memory_space<vmem>>
      %dma_start3A_277 = arith.constant 0 : i32
      %dma_start3A_278 = arith.constant 0 : i32
      %dma_start3A_279 = tpu.memref_slice %arg2[%dma_start3A_277, %dma_start3A_278] : memref<10000x128xf32, #tpu.memory_space<hbm>> -> memref<10000x128xf32, #tpu.memory_space<hbm>>
      tpu.enqueue_indirect_dma source(%dma_start3A_279 : memref<10000x128xf32, #tpu.memory_space<hbm>>) target(%arg9 : memref<80x128xf32, #tpu.memory_space<vmem>>) offsets(%dma_start3A_276 : memref<80xi32, #tpu.memory_space<vmem>>) semaphore(%arg12 : memref<!tpu.dma_semaphore, #tpu.memory_space<semaphore_mem>>)
      %dma_wait3A_280 = arith.constant 0 : i32
      %dma_wait3A_281 = tpu.memref_slice %arg6[%dma_wait3A_280] : memref<10000xi32, #tpu.memory_space<vmem>> -> memref<80xi32, #tpu.memory_space<vmem>>
      %dma_wait3A_282 = arith.constant 0 : i32
      %dma_wait3A_283 = arith.constant 0 : i32
      %dma_wait3A_284 = tpu.memref_slice %arg2[%dma_wait3A_282, %dma_wait3A_283] : memref<10000x128xf32, #tpu.memory_space<hbm>> -> memref<10000x128xf32, #tpu.memory_space<hbm>>
      tpu.wait_indirect_dma semaphore(%arg11 : memref<!tpu.dma_semaphore, #tpu.memory_space<semaphore_mem>>) src(%dma_wait3A_284 : memref<10000x128xf32, #tpu.memory_space<hbm>>) dst(%arg8 : memref<80x128xf32, #tpu.memory_space<vmem>>)
      %add3A_285 = arith.constant 0 : i32
      %add3A_286 = arith.addi %mul3A_249, %add3A_285 : i32
      %dma_start3A_287 = arith.constant 0 : i32
      %dma_start3A_288 = tpu.memref_slice %arg7[%add3A_286, %dma_start3A_287] : memref<125x80xi32, #tpu.memory_space<vmem>> -> memref<1x80xi32, #tpu.memory_space<vmem>>
      %dma_start3A_289 = tpu.memref_squeeze %dma_start3A_288 : memref<1x80xi32, #tpu.memory_space<vmem>> -> memref<80xi32, #tpu.memory_space<vmem>>
      %dma_start3A_290 = arith.constant 0 : i32
      %dma_start3A_291 = arith.constant 0 : i32
      %dma_start3A_292 = tpu.memref_slice %arg10[%dma_start3A_290, %dma_start3A_291] : memref<10000x128xf32, #tpu.memory_space<vmem_shared>> -> memref<10000x128xf32, #tpu.memory_space<vmem_shared>>
      tpu.enqueue_indirect_dma source(%arg8 : memref<80x128xf32, #tpu.memory_space<vmem>>) target(%dma_start3A_292 : memref<10000x128xf32, #tpu.memory_space<vmem_shared>>) offsets(%dma_start3A_289 : memref<80xi32, #tpu.memory_space<vmem>>) semaphore(%arg13 : memref<!tpu.dma_semaphore, #tpu.memory_space<semaphore_mem>>) {add = true}
      %dma_wait3A_293 = arith.constant 0 : i32
      %dma_wait3A_294 = tpu.memref_slice %arg6[%dma_wait3A_293] : memref<10000xi32, #tpu.memory_space<vmem>> -> memref<80xi32, #tpu.memory_space<vmem>>
      %dma_wait3A_295 = arith.constant 0 : i32
      %dma_wait3A_296 = arith.constant 0 : i32
      %dma_wait3A_297 = tpu.memref_slice %arg2[%dma_wait3A_295, %dma_wait3A_296] : memref<10000x128xf32, #tpu.memory_space<hbm>> -> memref<10000x128xf32, #tpu.memory_space<hbm>>
      tpu.wait_indirect_dma semaphore(%arg12 : memref<!tpu.dma_semaphore, #tpu.memory_space<semaphore_mem>>) src(%dma_wait3A_297 : memref<10000x128xf32, #tpu.memory_space<hbm>>) dst(%arg9 : memref<80x128xf32, #tpu.memory_space<vmem>>)
      %add3A_298 = arith.constant 1 : i32
      %add3A_299 = arith.addi %mul3A_249, %add3A_298 : i32
      %dma_start3A_300 = arith.constant 0 : i32
      %dma_start3A_301 = tpu.memref_slice %arg7[%add3A_299, %dma_start3A_300] : memref<125x80xi32, #tpu.memory_space<vmem>> -> memref<1x80xi32, #tpu.memory_space<vmem>>
      %dma_start3A_302 = tpu.memref_squeeze %dma_start3A_301 : memref<1x80xi32, #tpu.memory_space<vmem>> -> memref<80xi32, #tpu.memory_space<vmem>>
      %dma_start3A_303 = arith.constant 0 : i32
      %dma_start3A_304 = arith.constant 0 : i32
      %dma_start3A_305 = tpu.memref_slice %arg10[%dma_start3A_303, %dma_start3A_304] : memref<10000x128xf32, #tpu.memory_space<vmem_shared>> -> memref<10000x128xf32, #tpu.memory_space<vmem_shared>>
      tpu.enqueue_indirect_dma source(%arg9 : memref<80x128xf32, #tpu.memory_space<vmem>>) target(%dma_start3A_305 : memref<10000x128xf32, #tpu.memory_space<vmem_shared>>) offsets(%dma_start3A_302 : memref<80xi32, #tpu.memory_space<vmem>>) semaphore(%arg14 : memref<!tpu.dma_semaphore, #tpu.memory_space<semaphore_mem>>) {add = true}
    }
    %scan3A_195 = arith.constant 61 : i32
    %dma_wait3A_196 = arith.constant 0 : i32
    %dma_wait3A_197 = arith.constant 0 : i32
    %dma_wait3A_198 = tpu.memref_slice %arg7[%dma_wait3A_196, %dma_wait3A_197] : memref<125x80xi32, #tpu.memory_space<vmem>> -> memref<1x80xi32, #tpu.memory_space<vmem>>
    %dma_wait3A_199 = tpu.memref_squeeze %dma_wait3A_198 : memref<1x80xi32, #tpu.memory_space<vmem>> -> memref<80xi32, #tpu.memory_space<vmem>>
    %dma_wait3A_200 = arith.constant 0 : i32
    %dma_wait3A_201 = arith.constant 0 : i32
    %dma_wait3A_202 = tpu.memref_slice %arg10[%dma_wait3A_200, %dma_wait3A_201] : memref<10000x128xf32, #tpu.memory_space<vmem_shared>> -> memref<10000x128xf32, #tpu.memory_space<vmem_shared>>
    tpu.wait_indirect_dma semaphore(%arg13 : memref<!tpu.dma_semaphore, #tpu.memory_space<semaphore_mem>>) src(%arg8 : memref<80x128xf32, #tpu.memory_space<vmem>>) dst(%dma_wait3A_202 : memref<10000x128xf32, #tpu.memory_space<vmem_shared>>)
    %dma_start3A_203 = arith.constant 9920 : i32
    %dma_start3A_204 = tpu.memref_slice %arg6[%dma_start3A_203] : memref<10000xi32, #tpu.memory_space<vmem>> -> memref<80xi32, #tpu.memory_space<vmem>>
    %dma_start3A_205 = arith.constant 0 : i32
    %dma_start3A_206 = arith.constant 0 : i32
    %dma_start3A_207 = tpu.memref_slice %arg2[%dma_start3A_205, %dma_start3A_206] : memref<10000x128xf32, #tpu.memory_space<hbm>> -> memref<10000x128xf32, #tpu.memory_space<hbm>>
    tpu.enqueue_indirect_dma source(%dma_start3A_207 : memref<10000x128xf32, #tpu.memory_space<hbm>>) target(%arg8 : memref<80x128xf32, #tpu.memory_space<vmem>>) offsets(%dma_start3A_204 : memref<80xi32, #tpu.memory_space<vmem>>) semaphore(%arg11 : memref<!tpu.dma_semaphore, #tpu.memory_space<semaphore_mem>>)
    %dma_wait3A_208 = arith.constant 0 : i32
    %dma_wait3A_209 = tpu.memref_slice %arg6[%dma_wait3A_208] : memref<10000xi32, #tpu.memory_space<vmem>> -> memref<80xi32, #tpu.memory_space<vmem>>
    %dma_wait3A_210 = arith.constant 0 : i32
    %dma_wait3A_211 = arith.constant 0 : i32
    %dma_wait3A_212 = tpu.memref_slice %arg2[%dma_wait3A_210, %dma_wait3A_211] : memref<10000x128xf32, #tpu.memory_space<hbm>> -> memref<10000x128xf32, #tpu.memory_space<hbm>>
    tpu.wait_indirect_dma semaphore(%arg11 : memref<!tpu.dma_semaphore, #tpu.memory_space<semaphore_mem>>) src(%dma_wait3A_212 : memref<10000x128xf32, #tpu.memory_space<hbm>>) dst(%arg8 : memref<80x128xf32, #tpu.memory_space<vmem>>)
    %dma_start3A_213 = arith.constant 124 : i32
    %dma_start3A_214 = arith.constant 0 : i32
    %dma_start3A_215 = tpu.memref_slice %arg7[%dma_start3A_213, %dma_start3A_214] : memref<125x80xi32, #tpu.memory_space<vmem>> -> memref<1x80xi32, #tpu.memory_space<vmem>>
    %dma_start3A_216 = tpu.memref_squeeze %dma_start3A_215 : memref<1x80xi32, #tpu.memory_space<vmem>> -> memref<80xi32, #tpu.memory_space<vmem>>
    %dma_start3A_217 = arith.constant 0 : i32
    %dma_start3A_218 = arith.constant 0 : i32
    %dma_start3A_219 = tpu.memref_slice %arg10[%dma_start3A_217, %dma_start3A_218] : memref<10000x128xf32, #tpu.memory_space<vmem_shared>> -> memref<10000x128xf32, #tpu.memory_space<vmem_shared>>
    tpu.enqueue_indirect_dma source(%arg8 : memref<80x128xf32, #tpu.memory_space<vmem>>) target(%dma_start3A_219 : memref<10000x128xf32, #tpu.memory_space<vmem_shared>>) offsets(%dma_start3A_216 : memref<80xi32, #tpu.memory_space<vmem>>) semaphore(%arg13 : memref<!tpu.dma_semaphore, #tpu.memory_space<semaphore_mem>>) {add = true}
    %dma_wait3A_220 = arith.constant 0 : i32
    %dma_wait3A_221 = arith.constant 0 : i32
    %dma_wait3A_222 = tpu.memref_slice %arg7[%dma_wait3A_220, %dma_wait3A_221] : memref<125x80xi32, #tpu.memory_space<vmem>> -> memref<1x80xi32, #tpu.memory_space<vmem>>
    %dma_wait3A_223 = tpu.memref_squeeze %dma_wait3A_222 : memref<1x80xi32, #tpu.memory_space<vmem>> -> memref<80xi32, #tpu.memory_space<vmem>>
    %dma_wait3A_224 = arith.constant 0 : i32
    %dma_wait3A_225 = arith.constant 0 : i32
    %dma_wait3A_226 = tpu.memref_slice %arg10[%dma_wait3A_224, %dma_wait3A_225] : memref<10000x128xf32, #tpu.memory_space<vmem_shared>> -> memref<10000x128xf32, #tpu.memory_space<vmem_shared>>
    tpu.wait_indirect_dma semaphore(%arg13 : memref<!tpu.dma_semaphore, #tpu.memory_space<semaphore_mem>>) src(%arg8 : memref<80x128xf32, #tpu.memory_space<vmem>>) dst(%dma_wait3A_226 : memref<10000x128xf32, #tpu.memory_space<vmem_shared>>)
    %dma_wait3A_227 = arith.constant 0 : i32
    %dma_wait3A_228 = arith.constant 0 : i32
    %dma_wait3A_229 = tpu.memref_slice %arg7[%dma_wait3A_227, %dma_wait3A_228] : memref<125x80xi32, #tpu.memory_space<vmem>> -> memref<1x80xi32, #tpu.memory_space<vmem>>
    %dma_wait3A_230 = tpu.memref_squeeze %dma_wait3A_229 : memref<1x80xi32, #tpu.memory_space<vmem>> -> memref<80xi32, #tpu.memory_space<vmem>>
    %dma_wait3A_231 = arith.constant 0 : i32
    %dma_wait3A_232 = arith.constant 0 : i32
    %dma_wait3A_233 = tpu.memref_slice %arg10[%dma_wait3A_231, %dma_wait3A_232] : memref<10000x128xf32, #tpu.memory_space<vmem_shared>> -> memref<10000x128xf32, #tpu.memory_space<vmem_shared>>
    tpu.wait_indirect_dma semaphore(%arg14 : memref<!tpu.dma_semaphore, #tpu.memory_space<semaphore_mem>>) src(%arg9 : memref<80x128xf32, #tpu.memory_space<vmem>>) dst(%dma_wait3A_233 : memref<10000x128xf32, #tpu.memory_space<vmem_shared>>)
    %barrier3A_234 = arith.constant 0 : index
    tpu.barrier barrier_id(%barrier3A_234)
    %mul3A_235 = arith.constant 624 : i32
    %mul3A_236 = arith.muli %arg1, %mul3A_235 : i32
    %mul3A_237 = arith.constant 10000 : i32
    %mul3A_238 = arith.muli %arg0, %mul3A_237 : i32
    %mul3A_239 = arith.constant 624 : i32
    %mul3A_240 = arith.muli %arg1, %mul3A_239 : i32
    %add3A_241 = arith.addi %mul3A_238, %mul3A_240 : i32
    "tpu.region"() ({
      %run_scoped3A = tpu.sem_alloc : memref<!tpu.dma_semaphore, #tpu.memory_space<semaphore_mem>>
      %dma_start3A_247 = arith.constant 0 : i32
      %dma_start3A_248 = tpu.memref_slice %arg5[%add3A_241, %dma_start3A_247] : memref<20000x128xf32, #tpu.memory_space<hbm>> -> memref<624x128xf32, #tpu.memory_space<hbm>>
      %dma_start3A_249 = arith.constant 0 : i32
      %dma_start3A_250 = tpu.memref_slice %arg10[%mul3A_236, %dma_start3A_249] : memref<10000x128xf32, #tpu.memory_space<vmem_shared>> -> memref<624x128xf32, #tpu.memory_space<vmem_shared>>
      tpu.enqueue_dma source(%dma_start3A_250 : memref<624x128xf32, #tpu.memory_space<vmem_shared>>) target(%dma_start3A_248 : memref<624x128xf32, #tpu.memory_space<hbm>>) target_semaphore(%run_scoped3A : memref<!tpu.dma_semaphore, #tpu.memory_space<semaphore_mem>>)
      %dma_wait3A_251 = arith.constant 0 : i32
      %dma_wait3A_252 = tpu.memref_slice %arg5[%add3A_241, %dma_wait3A_251] : memref<20000x128xf32, #tpu.memory_space<hbm>> -> memref<624x128xf32, #tpu.memory_space<hbm>>
      %dma_wait3A_253 = arith.constant 0 : i32
      %dma_wait3A_254 = tpu.memref_slice %arg10[%mul3A_236, %dma_wait3A_253] : memref<10000x128xf32, #tpu.memory_space<vmem_shared>> -> memref<624x128xf32, #tpu.memory_space<vmem_shared>>
      tpu.wait_dma2 semaphore(%run_scoped3A : memref<!tpu.dma_semaphore, #tpu.memory_space<semaphore_mem>>) src(%dma_wait3A_254 : memref<624x128xf32, #tpu.memory_space<vmem_shared>>) dst(%dma_wait3A_252 : memref<624x128xf32, #tpu.memory_space<hbm>>)
      tpu.yield
    }) : () -> ()
    %eq3A_242 = arith.constant 0 : i32
    %eq3A_243 = arith.cmpi eq, %arg1, %eq3A_242 : i32
    %convert_element_type3A_244 = arith.extui %eq3A_243 : i1 to i32
    %cond3A_245 = arith.constant 0 : i32
    %cond3A_246 = arith.cmpi ne, %convert_element_type3A_244, %cond3A_245 : i32
    scf.if %cond3A_246 {
      %mul3A_247 = arith.constant 10000 : i32
      %mul3A_248 = arith.muli %arg0, %mul3A_247 : i32
      %add3A_249 = arith.constant 9984 : i32
      %add3A_250 = arith.addi %mul3A_248, %add3A_249 : i32
      "tpu.region"() ({
        %run_scoped3A = tpu.sem_alloc : memref<!tpu.dma_semaphore, #tpu.memory_space<semaphore_mem>>
        %dma_start3A_251 = arith.constant 0 : i32
        %dma_start3A_252 = tpu.memref_slice %arg5[%add3A_250, %dma_start3A_251] : memref<20000x128xf32, #tpu.memory_space<hbm>> -> memref<16x128xf32, #tpu.memory_space<hbm>>
        %dma_start3A_253 = arith.constant 9984 : i32
        %dma_start3A_254 = arith.constant 0 : i32
        %dma_start3A_255 = tpu.memref_slice %arg10[%dma_start3A_253, %dma_start3A_254] : memref<10000x128xf32, #tpu.memory_space<vmem_shared>> -> memref<16x128xf32, #tpu.memory_space<vmem_shared>>
        tpu.enqueue_dma source(%dma_start3A_255 : memref<16x128xf32, #tpu.memory_space<vmem_shared>>) target(%dma_start3A_252 : memref<16x128xf32, #tpu.memory_space<hbm>>) target_semaphore(%run_scoped3A : memref<!tpu.dma_semaphore, #tpu.memory_space<semaphore_mem>>)
        %dma_wait3A_256 = arith.constant 0 : i32
        %dma_wait3A_257 = tpu.memref_slice %arg5[%add3A_250, %dma_wait3A_256] : memref<20000x128xf32, #tpu.memory_space<hbm>> -> memref<16x128xf32, #tpu.memory_space<hbm>>
        %dma_wait3A_258 = arith.constant 9984 : i32
        %dma_wait3A_259 = arith.constant 0 : i32
        %dma_wait3A_260 = tpu.memref_slice %arg10[%dma_wait3A_258, %dma_wait3A_259] : memref<10000x128xf32, #tpu.memory_space<vmem_shared>> -> memref<16x128xf32, #tpu.memory_space<vmem_shared>>
        tpu.wait_dma2 semaphore(%run_scoped3A : memref<!tpu.dma_semaphore, #tpu.memory_space<semaphore_mem>>) src(%dma_wait3A_260 : memref<16x128xf32, #tpu.memory_space<vmem_shared>>) dst(%dma_wait3A_257 : memref<16x128xf32, #tpu.memory_space<hbm>>)
        tpu.yield
      }) : () -> ()
    } else {
    }
    return
  }
}

#map = affine_map<(d0, d1) -> (0, 0)>
#map1 = affine_map<(d0, d1) -> (0)>
#map2 = affine_map<(d0, d1) -> (0, 0, 0)>
module attributes {stable_mosaic.version = 14 : i64} {
  func.func @seg_sum(%arg0: i32, %arg1: i32, %arg2: memref<10000x128xf32, #tpu.memory_space<hbm>>, %arg3: memref<320000xi32, #tpu.memory_space<hbm>>, %arg4: memref<32x125x80xi32, #tpu.memory_space<hbm>>, %arg5: memref<20000x128xf32, #tpu.memory_space<hbm>>, %arg6: memref<20000xf32, #tpu.memory_space<hbm>>, %arg7: memref<10000xi32, #tpu.memory_space<vmem>>, %arg8: memref<125x80xi32, #tpu.memory_space<vmem>>, %arg9: memref<80x128xf32, #tpu.memory_space<vmem>>, %arg10: memref<80x128xf32, #tpu.memory_space<vmem>>, %arg11: memref<10000x128xf32, #tpu.memory_space<vmem_shared>>, %arg12: memref<!tpu.dma_semaphore, #tpu.memory_space<semaphore_mem>>, %arg13: memref<!tpu.dma_semaphore, #tpu.memory_space<semaphore_mem>>, %arg14: memref<!tpu.dma_semaphore, #tpu.memory_space<semaphore_mem>>, %arg15: memref<!tpu.dma_semaphore, #tpu.memory_space<semaphore_mem>>, %arg16: memref<80xf32, #tpu.memory_space<vmem>>, %arg17: memref<1008xf32, #tpu.memory_space<vmem>>, %arg18: memref<10000xf32, #tpu.memory_space<vmem_shared>>, %arg19: memref<!tpu.dma_semaphore, #tpu.memory_space<semaphore_mem>>) attributes {dimension_semantics = [#tpu.dimension_semantics<core_parallel>, #tpu.dimension_semantics<subcore_parallel>], iteration_bounds = array<i64: 2, 16>, scalar_prefetch = 0 : i64, scratch_operands = 13 : i64, tpu.core_type = #tpu.core_type<sc_vector_subcore>, window_params = [{transform_indices = #map}, {transform_indices = #map1}, {transform_indices = #map2}, {transform_indices = #map}, {transform_indices = #map1}]} {
    %mul3A = arith.constant 2 : i32
    %mul3A_0 = arith.muli %arg1, %mul3A : i32
    %add3A = arith.addi %mul3A_0, %arg0 : i32
    %mul3A_1 = arith.constant 10000 : i32
    %mul3A_2 = arith.muli %add3A, %mul3A_1 : i32
    %dma_start3A = tpu.memref_slice %arg3[%mul3A_2] : memref<320000xi32, #tpu.memory_space<hbm>> -> memref<10000xi32, #tpu.memory_space<hbm>>
    %dma_start3A_3 = tpu.memref_slice %arg3[%mul3A_2] : memref<320000xi32, #tpu.memory_space<hbm>> -> memref<10000xi32, #tpu.memory_space<hbm>>
    tpu.enqueue_dma source(%dma_start3A_3 : memref<10000xi32, #tpu.memory_space<hbm>>) target(%arg7 : memref<10000xi32, #tpu.memory_space<vmem>>) target_semaphore(%arg12 : memref<!tpu.dma_semaphore, #tpu.memory_space<semaphore_mem>>)
    %dma_start3A_4 = arith.constant 0 : i32
    %dma_start3A_5 = arith.constant 0 : i32
    %dma_start3A_6 = tpu.memref_slice %arg4[%add3A, %dma_start3A_4, %dma_start3A_5] : memref<32x125x80xi32, #tpu.memory_space<hbm>> -> memref<1x125x80xi32, #tpu.memory_space<hbm>>
    %dma_start3A_7 = tpu.memref_squeeze %dma_start3A_6 : memref<1x125x80xi32, #tpu.memory_space<hbm>> -> memref<125x80xi32, #tpu.memory_space<hbm>>
    %dma_start3A_8 = arith.constant 0 : i32
    %dma_start3A_9 = arith.constant 0 : i32
    %dma_start3A_10 = tpu.memref_slice %arg4[%add3A, %dma_start3A_8, %dma_start3A_9] : memref<32x125x80xi32, #tpu.memory_space<hbm>> -> memref<1x125x80xi32, #tpu.memory_space<hbm>>
    %dma_start3A_11 = tpu.memref_squeeze %dma_start3A_10 : memref<1x125x80xi32, #tpu.memory_space<hbm>> -> memref<125x80xi32, #tpu.memory_space<hbm>>
    tpu.enqueue_dma source(%dma_start3A_11 : memref<125x80xi32, #tpu.memory_space<hbm>>) target(%arg8 : memref<125x80xi32, #tpu.memory_space<vmem>>) target_semaphore(%arg13 : memref<!tpu.dma_semaphore, #tpu.memory_space<semaphore_mem>>)
    %scan3A = arith.constant 0 : i32
    %scan3A_12 = arith.constant 0 : i32
    %scan3A_13 = arith.constant 80 : i32
    %scan3A_14 = arith.addi %scan3A_12, %scan3A_13 : i32
    %scan3A_15 = arith.constant 1 : i32
    scf.for %scan3A_314 = %scan3A_12 to %scan3A_14 step %scan3A_15  : i32 {
      %broadcast_in_dim3A_315 = arith.constant 0.000000e+00 : f32
      %broadcast_in_dim3A_316 = vector.broadcast %broadcast_in_dim3A_315 : f32 to vector<16xf32>
      %swap3A_317 = arith.index_cast %scan3A_314 : i32 to index
      %swap3A_318 = arith.constant 0 : index
      %swap3A_319 = tpu.vector_load %arg9[%swap3A_317, %swap3A_318] {strides = array<i32>} : memref<80x128xf32, #tpu.memory_space<vmem>>, vector<1x16xf32>,
      %swap3A_320 = vector.shape_cast %swap3A_319 : vector<1x16xf32> to vector<16xf32>
      %swap3A_321 = vector.shape_cast %broadcast_in_dim3A_316 : vector<16xf32> to vector<1x16xf32>
      tpu.vector_store %arg9[%swap3A_317, %swap3A_318], %swap3A_321 {strides = array<i32>} : memref<80x128xf32, #tpu.memory_space<vmem>>, vector<1x16xf32>,
      %broadcast_in_dim3A_322 = arith.constant 0.000000e+00 : f32
      %broadcast_in_dim3A_323 = vector.broadcast %broadcast_in_dim3A_322 : f32 to vector<16xf32>
      %swap3A_324 = arith.index_cast %scan3A_314 : i32 to index
      %swap3A_325 = arith.constant 16 : index
      %swap3A_326 = tpu.vector_load %arg9[%swap3A_324, %swap3A_325] {strides = array<i32>} : memref<80x128xf32, #tpu.memory_space<vmem>>, vector<1x16xf32>,
      %swap3A_327 = vector.shape_cast %swap3A_326 : vector<1x16xf32> to vector<16xf32>
      %swap3A_328 = vector.shape_cast %broadcast_in_dim3A_323 : vector<16xf32> to vector<1x16xf32>
      tpu.vector_store %arg9[%swap3A_324, %swap3A_325], %swap3A_328 {strides = array<i32>} : memref<80x128xf32, #tpu.memory_space<vmem>>, vector<1x16xf32>,
      %broadcast_in_dim3A_329 = arith.constant 0.000000e+00 : f32
      %broadcast_in_dim3A_330 = vector.broadcast %broadcast_in_dim3A_329 : f32 to vector<16xf32>
      %swap3A_331 = arith.index_cast %scan3A_314 : i32 to index
      %swap3A_332 = arith.constant 32 : index
      %swap3A_333 = tpu.vector_load %arg9[%swap3A_331, %swap3A_332] {strides = array<i32>} : memref<80x128xf32, #tpu.memory_space<vmem>>, vector<1x16xf32>,
      %swap3A_334 = vector.shape_cast %swap3A_333 : vector<1x16xf32> to vector<16xf32>
      %swap3A_335 = vector.shape_cast %broadcast_in_dim3A_330 : vector<16xf32> to vector<1x16xf32>
      tpu.vector_store %arg9[%swap3A_331, %swap3A_332], %swap3A_335 {strides = array<i32>} : memref<80x128xf32, #tpu.memory_space<vmem>>, vector<1x16xf32>,
      %broadcast_in_dim3A_336 = arith.constant 0.000000e+00 : f32
      %broadcast_in_dim3A_337 = vector.broadcast %broadcast_in_dim3A_336 : f32 to vector<16xf32>
      %swap3A_338 = arith.index_cast %scan3A_314 : i32 to index
      %swap3A_339 = arith.constant 48 : index
      %swap3A_340 = tpu.vector_load %arg9[%swap3A_338, %swap3A_339] {strides = array<i32>} : memref<80x128xf32, #tpu.memory_space<vmem>>, vector<1x16xf32>,
      %swap3A_341 = vector.shape_cast %swap3A_340 : vector<1x16xf32> to vector<16xf32>
      %swap3A_342 = vector.shape_cast %broadcast_in_dim3A_337 : vector<16xf32> to vector<1x16xf32>
      tpu.vector_store %arg9[%swap3A_338, %swap3A_339], %swap3A_342 {strides = array<i32>} : memref<80x128xf32, #tpu.memory_space<vmem>>, vector<1x16xf32>,
      %broadcast_in_dim3A_343 = arith.constant 0.000000e+00 : f32
      %broadcast_in_dim3A_344 = vector.broadcast %broadcast_in_dim3A_343 : f32 to vector<16xf32>
      %swap3A_345 = arith.index_cast %scan3A_314 : i32 to index
      %swap3A_346 = arith.constant 64 : index
      %swap3A_347 = tpu.vector_load %arg9[%swap3A_345, %swap3A_346] {strides = array<i32>} : memref<80x128xf32, #tpu.memory_space<vmem>>, vector<1x16xf32>,
      %swap3A_348 = vector.shape_cast %swap3A_347 : vector<1x16xf32> to vector<16xf32>
      %swap3A_349 = vector.shape_cast %broadcast_in_dim3A_344 : vector<16xf32> to vector<1x16xf32>
      tpu.vector_store %arg9[%swap3A_345, %swap3A_346], %swap3A_349 {strides = array<i32>} : memref<80x128xf32, #tpu.memory_space<vmem>>, vector<1x16xf32>,
      %broadcast_in_dim3A_350 = arith.constant 0.000000e+00 : f32
      %broadcast_in_dim3A_351 = vector.broadcast %broadcast_in_dim3A_350 : f32 to vector<16xf32>
      %swap3A_352 = arith.index_cast %scan3A_314 : i32 to index
      %swap3A_353 = arith.constant 80 : index
      %swap3A_354 = tpu.vector_load %arg9[%swap3A_352, %swap3A_353] {strides = array<i32>} : memref<80x128xf32, #tpu.memory_space<vmem>>, vector<1x16xf32>,
      %swap3A_355 = vector.shape_cast %swap3A_354 : vector<1x16xf32> to vector<16xf32>
      %swap3A_356 = vector.shape_cast %broadcast_in_dim3A_351 : vector<16xf32> to vector<1x16xf32>
      tpu.vector_store %arg9[%swap3A_352, %swap3A_353], %swap3A_356 {strides = array<i32>} : memref<80x128xf32, #tpu.memory_space<vmem>>, vector<1x16xf32>,
      %broadcast_in_dim3A_357 = arith.constant 0.000000e+00 : f32
      %broadcast_in_dim3A_358 = vector.broadcast %broadcast_in_dim3A_357 : f32 to vector<16xf32>
      %swap3A_359 = arith.index_cast %scan3A_314 : i32 to index
      %swap3A_360 = arith.constant 96 : index
      %swap3A_361 = tpu.vector_load %arg9[%swap3A_359, %swap3A_360] {strides = array<i32>} : memref<80x128xf32, #tpu.memory_space<vmem>>, vector<1x16xf32>,
      %swap3A_362 = vector.shape_cast %swap3A_361 : vector<1x16xf32> to vector<16xf32>
      %swap3A_363 = vector.shape_cast %broadcast_in_dim3A_358 : vector<16xf32> to vector<1x16xf32>
      tpu.vector_store %arg9[%swap3A_359, %swap3A_360], %swap3A_363 {strides = array<i32>} : memref<80x128xf32, #tpu.memory_space<vmem>>, vector<1x16xf32>,
      %broadcast_in_dim3A_364 = arith.constant 0.000000e+00 : f32
      %broadcast_in_dim3A_365 = vector.broadcast %broadcast_in_dim3A_364 : f32 to vector<16xf32>
      %swap3A_366 = arith.index_cast %scan3A_314 : i32 to index
      %swap3A_367 = arith.constant 112 : index
      %swap3A_368 = tpu.vector_load %arg9[%swap3A_366, %swap3A_367] {strides = array<i32>} : memref<80x128xf32, #tpu.memory_space<vmem>>, vector<1x16xf32>,
      %swap3A_369 = vector.shape_cast %swap3A_368 : vector<1x16xf32> to vector<16xf32>
      %swap3A_370 = vector.shape_cast %broadcast_in_dim3A_365 : vector<16xf32> to vector<1x16xf32>
      tpu.vector_store %arg9[%swap3A_366, %swap3A_367], %swap3A_370 {strides = array<i32>} : memref<80x128xf32, #tpu.memory_space<vmem>>, vector<1x16xf32>,
    }
    %scan3A_16 = arith.constant 80 : i32
    %broadcast_in_dim3A = arith.constant 1.000000e+00 : f32
    %broadcast_in_dim3A_17 = vector.broadcast %broadcast_in_dim3A : f32 to vector<16xf32>
    %swap3A = arith.constant 0 : index
    %swap3A_18 = tpu.vector_load %arg16[%swap3A] {strides = array<i32>} : memref<80xf32, #tpu.memory_space<vmem>>, vector<16xf32>,
    %swap3A_19 = vector.shape_cast %swap3A_18 : vector<16xf32> to vector<16xf32>
    %swap3A_20 = vector.shape_cast %broadcast_in_dim3A_17 : vector<16xf32> to vector<16xf32>
    tpu.vector_store %arg16[%swap3A], %swap3A_20 {strides = array<i32>} : memref<80xf32, #tpu.memory_space<vmem>>, vector<16xf32>,
    %broadcast_in_dim3A_21 = arith.constant 1.000000e+00 : f32
    %broadcast_in_dim3A_22 = vector.broadcast %broadcast_in_dim3A_21 : f32 to vector<16xf32>
    %swap3A_23 = arith.constant 16 : index
    %swap3A_24 = tpu.vector_load %arg16[%swap3A_23] {strides = array<i32>} : memref<80xf32, #tpu.memory_space<vmem>>, vector<16xf32>,
    %swap3A_25 = vector.shape_cast %swap3A_24 : vector<16xf32> to vector<16xf32>
    %swap3A_26 = vector.shape_cast %broadcast_in_dim3A_22 : vector<16xf32> to vector<16xf32>
    tpu.vector_store %arg16[%swap3A_23], %swap3A_26 {strides = array<i32>} : memref<80xf32, #tpu.memory_space<vmem>>, vector<16xf32>,
    %broadcast_in_dim3A_27 = arith.constant 1.000000e+00 : f32
    %broadcast_in_dim3A_28 = vector.broadcast %broadcast_in_dim3A_27 : f32 to vector<16xf32>
    %swap3A_29 = arith.constant 32 : index
    %swap3A_30 = tpu.vector_load %arg16[%swap3A_29] {strides = array<i32>} : memref<80xf32, #tpu.memory_space<vmem>>, vector<16xf32>,
    %swap3A_31 = vector.shape_cast %swap3A_30 : vector<16xf32> to vector<16xf32>
    %swap3A_32 = vector.shape_cast %broadcast_in_dim3A_28 : vector<16xf32> to vector<16xf32>
    tpu.vector_store %arg16[%swap3A_29], %swap3A_32 {strides = array<i32>} : memref<80xf32, #tpu.memory_space<vmem>>, vector<16xf32>,
    %broadcast_in_dim3A_33 = arith.constant 1.000000e+00 : f32
    %broadcast_in_dim3A_34 = vector.broadcast %broadcast_in_dim3A_33 : f32 to vector<16xf32>
    %swap3A_35 = arith.constant 48 : index
    %swap3A_36 = tpu.vector_load %arg16[%swap3A_35] {strides = array<i32>} : memref<80xf32, #tpu.memory_space<vmem>>, vector<16xf32>,
    %swap3A_37 = vector.shape_cast %swap3A_36 : vector<16xf32> to vector<16xf32>
    %swap3A_38 = vector.shape_cast %broadcast_in_dim3A_34 : vector<16xf32> to vector<16xf32>
    tpu.vector_store %arg16[%swap3A_35], %swap3A_38 {strides = array<i32>} : memref<80xf32, #tpu.memory_space<vmem>>, vector<16xf32>,
    %broadcast_in_dim3A_39 = arith.constant 1.000000e+00 : f32
    %broadcast_in_dim3A_40 = vector.broadcast %broadcast_in_dim3A_39 : f32 to vector<16xf32>
    %swap3A_41 = arith.constant 64 : index
    %swap3A_42 = tpu.vector_load %arg16[%swap3A_41] {strides = array<i32>} : memref<80xf32, #tpu.memory_space<vmem>>, vector<16xf32>,
    %swap3A_43 = vector.shape_cast %swap3A_42 : vector<16xf32> to vector<16xf32>
    %swap3A_44 = vector.shape_cast %broadcast_in_dim3A_40 : vector<16xf32> to vector<16xf32>
    tpu.vector_store %arg16[%swap3A_41], %swap3A_44 {strides = array<i32>} : memref<80xf32, #tpu.memory_space<vmem>>, vector<16xf32>,
    %scan3A_45 = arith.constant 0 : i32
    %scan3A_46 = arith.constant 0 : i32
    %scan3A_47 = arith.constant 63 : i32
    %scan3A_48 = arith.addi %scan3A_46, %scan3A_47 : i32
    %scan3A_49 = arith.constant 1 : i32
    scf.for %scan3A_314 = %scan3A_46 to %scan3A_48 step %scan3A_49  : i32 {
      %broadcast_in_dim3A_315 = arith.constant 0.000000e+00 : f32
      %broadcast_in_dim3A_316 = vector.broadcast %broadcast_in_dim3A_315 : f32 to vector<16xf32>
      %mul3A_317 = arith.constant 16 : i32
      %mul3A_318 = arith.muli %scan3A_314, %mul3A_317 : i32
      %swap3A_319 = arith.index_cast %mul3A_318 : i32 to index
      %swap3A_320 = tpu.vector_load %arg17[%swap3A_319] {strides = array<i32>} : memref<1008xf32, #tpu.memory_space<vmem>>, vector<16xf32>,
      %swap3A_321 = vector.shape_cast %swap3A_320 : vector<16xf32> to vector<16xf32>
      %swap3A_322 = vector.shape_cast %broadcast_in_dim3A_316 : vector<16xf32> to vector<16xf32>
      tpu.vector_store %arg17[%swap3A_319], %swap3A_322 {strides = array<i32>} : memref<1008xf32, #tpu.memory_space<vmem>>, vector<16xf32>,
    }
    %scan3A_50 = arith.constant 63 : i32
    %mul3A_51 = arith.constant 624 : i32
    %mul3A_52 = arith.muli %arg1, %mul3A_51 : i32
    %add3A_53 = arith.constant 0 : i32
    %add3A_54 = arith.addi %mul3A_52, %add3A_53 : i32
    %dma_start3A_55 = arith.constant 0 : i32
    %dma_start3A_56 = tpu.memref_slice %arg11[%add3A_54, %dma_start3A_55] : memref<10000x128xf32, #tpu.memory_space<vmem_shared>> -> memref<80x128xf32, #tpu.memory_space<vmem_shared>>
    %dma_start3A_57 = arith.constant 0 : i32
    %dma_start3A_58 = tpu.memref_slice %arg11[%add3A_54, %dma_start3A_57] : memref<10000x128xf32, #tpu.memory_space<vmem_shared>> -> memref<80x128xf32, #tpu.memory_space<vmem_shared>>
    tpu.enqueue_dma source(%arg9 : memref<80x128xf32, #tpu.memory_space<vmem>>) target(%dma_start3A_58 : memref<80x128xf32, #tpu.memory_space<vmem_shared>>) target_semaphore(%arg14 : memref<!tpu.dma_semaphore, #tpu.memory_space<semaphore_mem>>)
    %mul3A_59 = arith.constant 624 : i32
    %mul3A_60 = arith.muli %arg1, %mul3A_59 : i32
    %add3A_61 = arith.constant 80 : i32
    %add3A_62 = arith.addi %mul3A_60, %add3A_61 : i32
    %dma_start3A_63 = arith.constant 0 : i32
    %dma_start3A_64 = tpu.memref_slice %arg11[%add3A_62, %dma_start3A_63] : memref<10000x128xf32, #tpu.memory_space<vmem_shared>> -> memref<80x128xf32, #tpu.memory_space<vmem_shared>>
    %dma_start3A_65 = arith.constant 0 : i32
    %dma_start3A_66 = tpu.memref_slice %arg11[%add3A_62, %dma_start3A_65] : memref<10000x128xf32, #tpu.memory_space<vmem_shared>> -> memref<80x128xf32, #tpu.memory_space<vmem_shared>>
    tpu.enqueue_dma source(%arg9 : memref<80x128xf32, #tpu.memory_space<vmem>>) target(%dma_start3A_66 : memref<80x128xf32, #tpu.memory_space<vmem_shared>>) target_semaphore(%arg14 : memref<!tpu.dma_semaphore, #tpu.memory_space<semaphore_mem>>)
    %mul3A_67 = arith.constant 624 : i32
    %mul3A_68 = arith.muli %arg1, %mul3A_67 : i32
    %add3A_69 = arith.constant 160 : i32
    %add3A_70 = arith.addi %mul3A_68, %add3A_69 : i32
    %dma_start3A_71 = arith.constant 0 : i32
    %dma_start3A_72 = tpu.memref_slice %arg11[%add3A_70, %dma_start3A_71] : memref<10000x128xf32, #tpu.memory_space<vmem_shared>> -> memref<80x128xf32, #tpu.memory_space<vmem_shared>>
    %dma_start3A_73 = arith.constant 0 : i32
    %dma_start3A_74 = tpu.memref_slice %arg11[%add3A_70, %dma_start3A_73] : memref<10000x128xf32, #tpu.memory_space<vmem_shared>> -> memref<80x128xf32, #tpu.memory_space<vmem_shared>>
    tpu.enqueue_dma source(%arg9 : memref<80x128xf32, #tpu.memory_space<vmem>>) target(%dma_start3A_74 : memref<80x128xf32, #tpu.memory_space<vmem_shared>>) target_semaphore(%arg14 : memref<!tpu.dma_semaphore, #tpu.memory_space<semaphore_mem>>)
    %mul3A_75 = arith.constant 624 : i32
    %mul3A_76 = arith.muli %arg1, %mul3A_75 : i32
    %add3A_77 = arith.constant 240 : i32
    %add3A_78 = arith.addi %mul3A_76, %add3A_77 : i32
    %dma_start3A_79 = arith.constant 0 : i32
    %dma_start3A_80 = tpu.memref_slice %arg11[%add3A_78, %dma_start3A_79] : memref<10000x128xf32, #tpu.memory_space<vmem_shared>> -> memref<80x128xf32, #tpu.memory_space<vmem_shared>>
    %dma_start3A_81 = arith.constant 0 : i32
    %dma_start3A_82 = tpu.memref_slice %arg11[%add3A_78, %dma_start3A_81] : memref<10000x128xf32, #tpu.memory_space<vmem_shared>> -> memref<80x128xf32, #tpu.memory_space<vmem_shared>>
    tpu.enqueue_dma source(%arg9 : memref<80x128xf32, #tpu.memory_space<vmem>>) target(%dma_start3A_82 : memref<80x128xf32, #tpu.memory_space<vmem_shared>>) target_semaphore(%arg14 : memref<!tpu.dma_semaphore, #tpu.memory_space<semaphore_mem>>)
    %mul3A_83 = arith.constant 624 : i32
    %mul3A_84 = arith.muli %arg1, %mul3A_83 : i32
    %add3A_85 = arith.constant 320 : i32
    %add3A_86 = arith.addi %mul3A_84, %add3A_85 : i32
    %dma_start3A_87 = arith.constant 0 : i32
    %dma_start3A_88 = tpu.memref_slice %arg11[%add3A_86, %dma_start3A_87] : memref<10000x128xf32, #tpu.memory_space<vmem_shared>> -> memref<80x128xf32, #tpu.memory_space<vmem_shared>>
    %dma_start3A_89 = arith.constant 0 : i32
    %dma_start3A_90 = tpu.memref_slice %arg11[%add3A_86, %dma_start3A_89] : memref<10000x128xf32, #tpu.memory_space<vmem_shared>> -> memref<80x128xf32, #tpu.memory_space<vmem_shared>>
    tpu.enqueue_dma source(%arg9 : memref<80x128xf32, #tpu.memory_space<vmem>>) target(%dma_start3A_90 : memref<80x128xf32, #tpu.memory_space<vmem_shared>>) target_semaphore(%arg14 : memref<!tpu.dma_semaphore, #tpu.memory_space<semaphore_mem>>)
    %mul3A_91 = arith.constant 624 : i32
    %mul3A_92 = arith.muli %arg1, %mul3A_91 : i32
    %add3A_93 = arith.constant 400 : i32
    %add3A_94 = arith.addi %mul3A_92, %add3A_93 : i32
    %dma_start3A_95 = arith.constant 0 : i32
    %dma_start3A_96 = tpu.memref_slice %arg11[%add3A_94, %dma_start3A_95] : memref<10000x128xf32, #tpu.memory_space<vmem_shared>> -> memref<80x128xf32, #tpu.memory_space<vmem_shared>>
    %dma_start3A_97 = arith.constant 0 : i32
    %dma_start3A_98 = tpu.memref_slice %arg11[%add3A_94, %dma_start3A_97] : memref<10000x128xf32, #tpu.memory_space<vmem_shared>> -> memref<80x128xf32, #tpu.memory_space<vmem_shared>>
    tpu.enqueue_dma source(%arg9 : memref<80x128xf32, #tpu.memory_space<vmem>>) target(%dma_start3A_98 : memref<80x128xf32, #tpu.memory_space<vmem_shared>>) target_semaphore(%arg14 : memref<!tpu.dma_semaphore, #tpu.memory_space<semaphore_mem>>)
    %mul3A_99 = arith.constant 624 : i32
    %mul3A_100 = arith.muli %arg1, %mul3A_99 : i32
    %add3A_101 = arith.constant 480 : i32
    %add3A_102 = arith.addi %mul3A_100, %add3A_101 : i32
    %dma_start3A_103 = arith.constant 0 : i32
    %dma_start3A_104 = tpu.memref_slice %arg11[%add3A_102, %dma_start3A_103] : memref<10000x128xf32, #tpu.memory_space<vmem_shared>> -> memref<80x128xf32, #tpu.memory_space<vmem_shared>>
    %dma_start3A_105 = arith.constant 0 : i32
    %dma_start3A_106 = tpu.memref_slice %arg11[%add3A_102, %dma_start3A_105] : memref<10000x128xf32, #tpu.memory_space<vmem_shared>> -> memref<80x128xf32, #tpu.memory_space<vmem_shared>>
    tpu.enqueue_dma source(%arg9 : memref<80x128xf32, #tpu.memory_space<vmem>>) target(%dma_start3A_106 : memref<80x128xf32, #tpu.memory_space<vmem_shared>>) target_semaphore(%arg14 : memref<!tpu.dma_semaphore, #tpu.memory_space<semaphore_mem>>)
    %mul3A_107 = arith.constant 624 : i32
    %mul3A_108 = arith.muli %arg1, %mul3A_107 : i32
    %add3A_109 = arith.constant 624 : i32
    %add3A_110 = arith.addi %mul3A_108, %add3A_109 : i32
    %sub3A = arith.constant 64 : i32
    %sub3A_111 = arith.subi %add3A_110, %sub3A : i32
    %dma_start3A_112 = arith.constant 0 : i32
    %dma_start3A_113 = arith.constant 0 : i32
    %dma_start3A_114 = tpu.memref_slice %arg9[%dma_start3A_112, %dma_start3A_113] : memref<80x128xf32, #tpu.memory_space<vmem>> -> memref<64x128xf32, #tpu.memory_space<vmem>>
    %dma_start3A_115 = arith.constant 0 : i32
    %dma_start3A_116 = tpu.memref_slice %arg11[%sub3A_111, %dma_start3A_115] : memref<10000x128xf32, #tpu.memory_space<vmem_shared>> -> memref<64x128xf32, #tpu.memory_space<vmem_shared>>
    %dma_start3A_117 = arith.constant 0 : i32
    %dma_start3A_118 = tpu.memref_slice %arg11[%sub3A_111, %dma_start3A_117] : memref<10000x128xf32, #tpu.memory_space<vmem_shared>> -> memref<64x128xf32, #tpu.memory_space<vmem_shared>>
    %dma_start3A_119 = arith.constant 0 : i32
    %dma_start3A_120 = arith.constant 0 : i32
    %dma_start3A_121 = tpu.memref_slice %arg9[%dma_start3A_119, %dma_start3A_120] : memref<80x128xf32, #tpu.memory_space<vmem>> -> memref<64x128xf32, #tpu.memory_space<vmem>>
    tpu.enqueue_dma source(%dma_start3A_121 : memref<64x128xf32, #tpu.memory_space<vmem>>) target(%dma_start3A_118 : memref<64x128xf32, #tpu.memory_space<vmem_shared>>) target_semaphore(%arg15 : memref<!tpu.dma_semaphore, #tpu.memory_space<semaphore_mem>>)
    %eq3A = arith.constant 0 : i32
    %eq3A_122 = arith.cmpi eq, %arg1, %eq3A : i32
    %convert_element_type3A = arith.extui %eq3A_122 : i1 to i32
    %cond3A = arith.constant 0 : i32
    %cond3A_123 = arith.cmpi ne, %convert_element_type3A, %cond3A : i32
    scf.if %cond3A_123 {
      "tpu.region"() ({
        %run_scoped3A = tpu.sem_alloc : memref<!tpu.dma_semaphore, #tpu.memory_space<semaphore_mem>>
        %dma_start3A_314 = arith.constant 0 : i32
        %dma_start3A_315 = arith.constant 0 : i32
        %dma_start3A_316 = tpu.memref_slice %arg9[%dma_start3A_314, %dma_start3A_315] : memref<80x128xf32, #tpu.memory_space<vmem>> -> memref<16x128xf32, #tpu.memory_space<vmem>>
        %dma_start3A_317 = arith.constant 9984 : i32
        %dma_start3A_318 = arith.constant 0 : i32
        %dma_start3A_319 = tpu.memref_slice %arg11[%dma_start3A_317, %dma_start3A_318] : memref<10000x128xf32, #tpu.memory_space<vmem_shared>> -> memref<16x128xf32, #tpu.memory_space<vmem_shared>>
        %dma_start3A_320 = arith.constant 9984 : i32
        %dma_start3A_321 = arith.constant 0 : i32
        %dma_start3A_322 = tpu.memref_slice %arg11[%dma_start3A_320, %dma_start3A_321] : memref<10000x128xf32, #tpu.memory_space<vmem_shared>> -> memref<16x128xf32, #tpu.memory_space<vmem_shared>>
        %dma_start3A_323 = arith.constant 0 : i32
        %dma_start3A_324 = arith.constant 0 : i32
        %dma_start3A_325 = tpu.memref_slice %arg9[%dma_start3A_323, %dma_start3A_324] : memref<80x128xf32, #tpu.memory_space<vmem>> -> memref<16x128xf32, #tpu.memory_space<vmem>>
        tpu.enqueue_dma source(%dma_start3A_325 : memref<16x128xf32, #tpu.memory_space<vmem>>) target(%dma_start3A_322 : memref<16x128xf32, #tpu.memory_space<vmem_shared>>) target_semaphore(%run_scoped3A : memref<!tpu.dma_semaphore, #tpu.memory_space<semaphore_mem>>)
        %dma_wait3A_326 = arith.constant 0 : i32
        %dma_wait3A_327 = arith.constant 0 : i32
        %dma_wait3A_328 = tpu.memref_slice %arg9[%dma_wait3A_326, %dma_wait3A_327] : memref<80x128xf32, #tpu.memory_space<vmem>> -> memref<16x128xf32, #tpu.memory_space<vmem>>
        %dma_wait3A_329 = arith.constant 9984 : i32
        %dma_wait3A_330 = arith.constant 0 : i32
        %dma_wait3A_331 = tpu.memref_slice %arg11[%dma_wait3A_329, %dma_wait3A_330] : memref<10000x128xf32, #tpu.memory_space<vmem_shared>> -> memref<16x128xf32, #tpu.memory_space<vmem_shared>>
        %dma_wait3A_332 = arith.constant 9984 : i32
        %dma_wait3A_333 = arith.constant 0 : i32
        %dma_wait3A_334 = tpu.memref_slice %arg11[%dma_wait3A_332, %dma_wait3A_333] : memref<10000x128xf32, #tpu.memory_space<vmem_shared>> -> memref<16x128xf32, #tpu.memory_space<vmem_shared>>
        %dma_wait3A_335 = arith.constant 0 : i32
        %dma_wait3A_336 = arith.constant 0 : i32
        %dma_wait3A_337 = tpu.memref_slice %arg9[%dma_wait3A_335, %dma_wait3A_336] : memref<80x128xf32, #tpu.memory_space<vmem>> -> memref<16x128xf32, #tpu.memory_space<vmem>>
        tpu.wait_dma2 semaphore(%run_scoped3A : memref<!tpu.dma_semaphore, #tpu.memory_space<semaphore_mem>>) src(%dma_wait3A_337 : memref<16x128xf32, #tpu.memory_space<vmem>>) dst(%dma_wait3A_334 : memref<16x128xf32, #tpu.memory_space<vmem_shared>>)
        tpu.yield
      }) : () -> ()
    } else {
    }
    %lt3A = arith.constant 10 : i32
    %lt3A_124 = arith.cmpi slt, %arg1, %lt3A : i32
    %convert_element_type3A_125 = arith.extui %lt3A_124 : i1 to i32
    %cond3A_126 = arith.constant 0 : i32
    %cond3A_127 = arith.cmpi ne, %convert_element_type3A_125, %cond3A_126 : i32
    scf.if %cond3A_127 {
      %mul3A_314 = arith.constant 1000 : i32
      %mul3A_315 = arith.muli %arg1, %mul3A_314 : i32
      "tpu.region"() ({
        %run_scoped3A = tpu.sem_alloc : memref<!tpu.dma_semaphore, #tpu.memory_space<semaphore_mem>>
        %dma_start3A_316 = arith.constant 0 : i32
        %dma_start3A_317 = tpu.memref_slice %arg17[%dma_start3A_316] : memref<1008xf32, #tpu.memory_space<vmem>> -> memref<1000xf32, #tpu.memory_space<vmem>>
        %dma_start3A_318 = tpu.memref_slice %arg18[%mul3A_315] : memref<10000xf32, #tpu.memory_space<vmem_shared>> -> memref<1000xf32, #tpu.memory_space<vmem_shared>>
        %dma_start3A_319 = tpu.memref_slice %arg18[%mul3A_315] : memref<10000xf32, #tpu.memory_space<vmem_shared>> -> memref<1000xf32, #tpu.memory_space<vmem_shared>>
        %dma_start3A_320 = arith.constant 0 : i32
        %dma_start3A_321 = tpu.memref_slice %arg17[%dma_start3A_320] : memref<1008xf32, #tpu.memory_space<vmem>> -> memref<1000xf32, #tpu.memory_space<vmem>>
        tpu.enqueue_dma source(%dma_start3A_321 : memref<1000xf32, #tpu.memory_space<vmem>>) target(%dma_start3A_319 : memref<1000xf32, #tpu.memory_space<vmem_shared>>) target_semaphore(%run_scoped3A : memref<!tpu.dma_semaphore, #tpu.memory_space<semaphore_mem>>)
        %dma_wait3A_322 = arith.constant 0 : i32
        %dma_wait3A_323 = tpu.memref_slice %arg17[%dma_wait3A_322] : memref<1008xf32, #tpu.memory_space<vmem>> -> memref<1000xf32, #tpu.memory_space<vmem>>
        %dma_wait3A_324 = tpu.memref_slice %arg18[%mul3A_315] : memref<10000xf32, #tpu.memory_space<vmem_shared>> -> memref<1000xf32, #tpu.memory_space<vmem_shared>>
        %dma_wait3A_325 = tpu.memref_slice %arg18[%mul3A_315] : memref<10000xf32, #tpu.memory_space<vmem_shared>> -> memref<1000xf32, #tpu.memory_space<vmem_shared>>
        %dma_wait3A_326 = arith.constant 0 : i32
        %dma_wait3A_327 = tpu.memref_slice %arg17[%dma_wait3A_326] : memref<1008xf32, #tpu.memory_space<vmem>> -> memref<1000xf32, #tpu.memory_space<vmem>>
        tpu.wait_dma2 semaphore(%run_scoped3A : memref<!tpu.dma_semaphore, #tpu.memory_space<semaphore_mem>>) src(%dma_wait3A_327 : memref<1000xf32, #tpu.memory_space<vmem>>) dst(%dma_wait3A_325 : memref<1000xf32, #tpu.memory_space<vmem_shared>>)
        tpu.yield
      }) : () -> ()
    } else {
    }
    %dma_wait3A = arith.constant 0 : i32
    %dma_wait3A_128 = tpu.memref_slice %arg3[%dma_wait3A] : memref<320000xi32, #tpu.memory_space<hbm>> -> memref<10000xi32, #tpu.memory_space<hbm>>
    %dma_wait3A_129 = arith.constant 0 : i32
    %dma_wait3A_130 = tpu.memref_slice %arg3[%dma_wait3A_129] : memref<320000xi32, #tpu.memory_space<hbm>> -> memref<10000xi32, #tpu.memory_space<hbm>>
    tpu.wait_dma2 semaphore(%arg12 : memref<!tpu.dma_semaphore, #tpu.memory_space<semaphore_mem>>) src(%dma_wait3A_130 : memref<10000xi32, #tpu.memory_space<hbm>>) dst(%arg7 : memref<10000xi32, #tpu.memory_space<vmem>>)
    %dma_wait3A_131 = arith.constant 0 : i32
    %dma_wait3A_132 = arith.constant 0 : i32
    %dma_wait3A_133 = arith.constant 0 : i32
    %dma_wait3A_134 = tpu.memref_slice %arg4[%dma_wait3A_131, %dma_wait3A_132, %dma_wait3A_133] : memref<32x125x80xi32, #tpu.memory_space<hbm>> -> memref<1x125x80xi32, #tpu.memory_space<hbm>>
    %dma_wait3A_135 = tpu.memref_squeeze %dma_wait3A_134 : memref<1x125x80xi32, #tpu.memory_space<hbm>> -> memref<125x80xi32, #tpu.memory_space<hbm>>
    %dma_wait3A_136 = arith.constant 0 : i32
    %dma_wait3A_137 = arith.constant 0 : i32
    %dma_wait3A_138 = tpu.memref_slice %arg4[%dma_wait3A_131, %dma_wait3A_136, %dma_wait3A_137] : memref<32x125x80xi32, #tpu.memory_space<hbm>> -> memref<1x125x80xi32, #tpu.memory_space<hbm>>
    %dma_wait3A_139 = tpu.memref_squeeze %dma_wait3A_138 : memref<1x125x80xi32, #tpu.memory_space<hbm>> -> memref<125x80xi32, #tpu.memory_space<hbm>>
    tpu.wait_dma2 semaphore(%arg13 : memref<!tpu.dma_semaphore, #tpu.memory_space<semaphore_mem>>) src(%dma_wait3A_139 : memref<125x80xi32, #tpu.memory_space<hbm>>) dst(%arg8 : memref<125x80xi32, #tpu.memory_space<vmem>>)
    %dma_wait3A_140 = arith.constant 0 : i32
    %dma_wait3A_141 = arith.constant 0 : i32
    %dma_wait3A_142 = tpu.memref_slice %arg11[%dma_wait3A_140, %dma_wait3A_141] : memref<10000x128xf32, #tpu.memory_space<vmem_shared>> -> memref<80x128xf32, #tpu.memory_space<vmem_shared>>
    %dma_wait3A_143 = arith.constant 0 : i32
    %dma_wait3A_144 = arith.constant 0 : i32
    %dma_wait3A_145 = tpu.memref_slice %arg11[%dma_wait3A_143, %dma_wait3A_144] : memref<10000x128xf32, #tpu.memory_space<vmem_shared>> -> memref<80x128xf32, #tpu.memory_space<vmem_shared>>
    tpu.wait_dma2 semaphore(%arg14 : memref<!tpu.dma_semaphore, #tpu.memory_space<semaphore_mem>>) src(%arg9 : memref<80x128xf32, #tpu.memory_space<vmem>>) dst(%dma_wait3A_145 : memref<80x128xf32, #tpu.memory_space<vmem_shared>>)
    %dma_wait3A_146 = arith.constant 0 : i32
    %dma_wait3A_147 = arith.constant 0 : i32
    %dma_wait3A_148 = tpu.memref_slice %arg11[%dma_wait3A_146, %dma_wait3A_147] : memref<10000x128xf32, #tpu.memory_space<vmem_shared>> -> memref<80x128xf32, #tpu.memory_space<vmem_shared>>
    %dma_wait3A_149 = arith.constant 0 : i32
    %dma_wait3A_150 = arith.constant 0 : i32
    %dma_wait3A_151 = tpu.memref_slice %arg11[%dma_wait3A_149, %dma_wait3A_150] : memref<10000x128xf32, #tpu.memory_space<vmem_shared>> -> memref<80x128xf32, #tpu.memory_space<vmem_shared>>
    tpu.wait_dma2 semaphore(%arg14 : memref<!tpu.dma_semaphore, #tpu.memory_space<semaphore_mem>>) src(%arg9 : memref<80x128xf32, #tpu.memory_space<vmem>>) dst(%dma_wait3A_151 : memref<80x128xf32, #tpu.memory_space<vmem_shared>>)
    %dma_wait3A_152 = arith.constant 0 : i32
    %dma_wait3A_153 = arith.constant 0 : i32
    %dma_wait3A_154 = tpu.memref_slice %arg11[%dma_wait3A_152, %dma_wait3A_153] : memref<10000x128xf32, #tpu.memory_space<vmem_shared>> -> memref<80x128xf32, #tpu.memory_space<vmem_shared>>
    %dma_wait3A_155 = arith.constant 0 : i32
    %dma_wait3A_156 = arith.constant 0 : i32
    %dma_wait3A_157 = tpu.memref_slice %arg11[%dma_wait3A_155, %dma_wait3A_156] : memref<10000x128xf32, #tpu.memory_space<vmem_shared>> -> memref<80x128xf32, #tpu.memory_space<vmem_shared>>
    tpu.wait_dma2 semaphore(%arg14 : memref<!tpu.dma_semaphore, #tpu.memory_space<semaphore_mem>>) src(%arg9 : memref<80x128xf32, #tpu.memory_space<vmem>>) dst(%dma_wait3A_157 : memref<80x128xf32, #tpu.memory_space<vmem_shared>>)
    %dma_wait3A_158 = arith.constant 0 : i32
    %dma_wait3A_159 = arith.constant 0 : i32
    %dma_wait3A_160 = tpu.memref_slice %arg11[%dma_wait3A_158, %dma_wait3A_159] : memref<10000x128xf32, #tpu.memory_space<vmem_shared>> -> memref<80x128xf32, #tpu.memory_space<vmem_shared>>
    %dma_wait3A_161 = arith.constant 0 : i32
    %dma_wait3A_162 = arith.constant 0 : i32
    %dma_wait3A_163 = tpu.memref_slice %arg11[%dma_wait3A_161, %dma_wait3A_162] : memref<10000x128xf32, #tpu.memory_space<vmem_shared>> -> memref<80x128xf32, #tpu.memory_space<vmem_shared>>
    tpu.wait_dma2 semaphore(%arg14 : memref<!tpu.dma_semaphore, #tpu.memory_space<semaphore_mem>>) src(%arg9 : memref<80x128xf32, #tpu.memory_space<vmem>>) dst(%dma_wait3A_163 : memref<80x128xf32, #tpu.memory_space<vmem_shared>>)
    %dma_wait3A_164 = arith.constant 0 : i32
    %dma_wait3A_165 = arith.constant 0 : i32
    %dma_wait3A_166 = tpu.memref_slice %arg11[%dma_wait3A_164, %dma_wait3A_165] : memref<10000x128xf32, #tpu.memory_space<vmem_shared>> -> memref<80x128xf32, #tpu.memory_space<vmem_shared>>
    %dma_wait3A_167 = arith.constant 0 : i32
    %dma_wait3A_168 = arith.constant 0 : i32
    %dma_wait3A_169 = tpu.memref_slice %arg11[%dma_wait3A_167, %dma_wait3A_168] : memref<10000x128xf32, #tpu.memory_space<vmem_shared>> -> memref<80x128xf32, #tpu.memory_space<vmem_shared>>
    tpu.wait_dma2 semaphore(%arg14 : memref<!tpu.dma_semaphore, #tpu.memory_space<semaphore_mem>>) src(%arg9 : memref<80x128xf32, #tpu.memory_space<vmem>>) dst(%dma_wait3A_169 : memref<80x128xf32, #tpu.memory_space<vmem_shared>>)
    %dma_wait3A_170 = arith.constant 0 : i32
    %dma_wait3A_171 = arith.constant 0 : i32
    %dma_wait3A_172 = tpu.memref_slice %arg11[%dma_wait3A_170, %dma_wait3A_171] : memref<10000x128xf32, #tpu.memory_space<vmem_shared>> -> memref<80x128xf32, #tpu.memory_space<vmem_shared>>
    %dma_wait3A_173 = arith.constant 0 : i32
    %dma_wait3A_174 = arith.constant 0 : i32
    %dma_wait3A_175 = tpu.memref_slice %arg11[%dma_wait3A_173, %dma_wait3A_174] : memref<10000x128xf32, #tpu.memory_space<vmem_shared>> -> memref<80x128xf32, #tpu.memory_space<vmem_shared>>
    tpu.wait_dma2 semaphore(%arg14 : memref<!tpu.dma_semaphore, #tpu.memory_space<semaphore_mem>>) src(%arg9 : memref<80x128xf32, #tpu.memory_space<vmem>>) dst(%dma_wait3A_175 : memref<80x128xf32, #tpu.memory_space<vmem_shared>>)
    %dma_wait3A_176 = arith.constant 0 : i32
    %dma_wait3A_177 = arith.constant 0 : i32
    %dma_wait3A_178 = tpu.memref_slice %arg11[%dma_wait3A_176, %dma_wait3A_177] : memref<10000x128xf32, #tpu.memory_space<vmem_shared>> -> memref<80x128xf32, #tpu.memory_space<vmem_shared>>
    %dma_wait3A_179 = arith.constant 0 : i32
    %dma_wait3A_180 = arith.constant 0 : i32
    %dma_wait3A_181 = tpu.memref_slice %arg11[%dma_wait3A_179, %dma_wait3A_180] : memref<10000x128xf32, #tpu.memory_space<vmem_shared>> -> memref<80x128xf32, #tpu.memory_space<vmem_shared>>
    tpu.wait_dma2 semaphore(%arg14 : memref<!tpu.dma_semaphore, #tpu.memory_space<semaphore_mem>>) src(%arg9 : memref<80x128xf32, #tpu.memory_space<vmem>>) dst(%dma_wait3A_181 : memref<80x128xf32, #tpu.memory_space<vmem_shared>>)
    %dma_wait3A_182 = arith.constant 0 : i32
    %dma_wait3A_183 = arith.constant 0 : i32
    %dma_wait3A_184 = tpu.memref_slice %arg9[%dma_wait3A_182, %dma_wait3A_183] : memref<80x128xf32, #tpu.memory_space<vmem>> -> memref<64x128xf32, #tpu.memory_space<vmem>>
    %dma_wait3A_185 = arith.constant 0 : i32
    %dma_wait3A_186 = arith.constant 0 : i32
    %dma_wait3A_187 = tpu.memref_slice %arg11[%dma_wait3A_185, %dma_wait3A_186] : memref<10000x128xf32, #tpu.memory_space<vmem_shared>> -> memref<64x128xf32, #tpu.memory_space<vmem_shared>>
    %dma_wait3A_188 = arith.constant 0 : i32
    %dma_wait3A_189 = arith.constant 0 : i32
    %dma_wait3A_190 = tpu.memref_slice %arg11[%dma_wait3A_188, %dma_wait3A_189] : memref<10000x128xf32, #tpu.memory_space<vmem_shared>> -> memref<64x128xf32, #tpu.memory_space<vmem_shared>>
    %dma_wait3A_191 = arith.constant 0 : i32
    %dma_wait3A_192 = arith.constant 0 : i32
    %dma_wait3A_193 = tpu.memref_slice %arg9[%dma_wait3A_191, %dma_wait3A_192] : memref<80x128xf32, #tpu.memory_space<vmem>> -> memref<64x128xf32, #tpu.memory_space<vmem>>
    tpu.wait_dma2 semaphore(%arg15 : memref<!tpu.dma_semaphore, #tpu.memory_space<semaphore_mem>>) src(%dma_wait3A_193 : memref<64x128xf32, #tpu.memory_space<vmem>>) dst(%dma_wait3A_190 : memref<64x128xf32, #tpu.memory_space<vmem_shared>>)
    %barrier3A = arith.constant 0 : index
    tpu.barrier barrier_id(%barrier3A)
    %dma_start3A_194 = arith.constant 0 : i32
    %dma_start3A_195 = tpu.memref_slice %arg7[%dma_start3A_194] : memref<10000xi32, #tpu.memory_space<vmem>> -> memref<80xi32, #tpu.memory_space<vmem>>
    %dma_start3A_196 = arith.constant 0 : i32
    %dma_start3A_197 = arith.constant 0 : i32
    %dma_start3A_198 = tpu.memref_slice %arg2[%dma_start3A_196, %dma_start3A_197] : memref<10000x128xf32, #tpu.memory_space<hbm>> -> memref<10000x128xf32, #tpu.memory_space<hbm>>
    tpu.enqueue_indirect_dma source(%dma_start3A_198 : memref<10000x128xf32, #tpu.memory_space<hbm>>) target(%arg9 : memref<80x128xf32, #tpu.memory_space<vmem>>) offsets(%dma_start3A_195 : memref<80xi32, #tpu.memory_space<vmem>>) semaphore(%arg12 : memref<!tpu.dma_semaphore, #tpu.memory_space<semaphore_mem>>)
    %dma_start3A_199 = arith.constant 80 : i32
    %dma_start3A_200 = tpu.memref_slice %arg7[%dma_start3A_199] : memref<10000xi32, #tpu.memory_space<vmem>> -> memref<80xi32, #tpu.memory_space<vmem>>
    %dma_start3A_201 = arith.constant 0 : i32
    %dma_start3A_202 = arith.constant 0 : i32
    %dma_start3A_203 = tpu.memref_slice %arg2[%dma_start3A_201, %dma_start3A_202] : memref<10000x128xf32, #tpu.memory_space<hbm>> -> memref<10000x128xf32, #tpu.memory_space<hbm>>
    tpu.enqueue_indirect_dma source(%dma_start3A_203 : memref<10000x128xf32, #tpu.memory_space<hbm>>) target(%arg10 : memref<80x128xf32, #tpu.memory_space<vmem>>) offsets(%dma_start3A_200 : memref<80xi32, #tpu.memory_space<vmem>>) semaphore(%arg13 : memref<!tpu.dma_semaphore, #tpu.memory_space<semaphore_mem>>)
    %dma_wait3A_204 = arith.constant 0 : i32
    %dma_wait3A_205 = tpu.memref_slice %arg7[%dma_wait3A_204] : memref<10000xi32, #tpu.memory_space<vmem>> -> memref<80xi32, #tpu.memory_space<vmem>>
    %dma_wait3A_206 = arith.constant 0 : i32
    %dma_wait3A_207 = arith.constant 0 : i32
    %dma_wait3A_208 = tpu.memref_slice %arg2[%dma_wait3A_206, %dma_wait3A_207] : memref<10000x128xf32, #tpu.memory_space<hbm>> -> memref<10000x128xf32, #tpu.memory_space<hbm>>
    tpu.wait_indirect_dma semaphore(%arg12 : memref<!tpu.dma_semaphore, #tpu.memory_space<semaphore_mem>>) src(%dma_wait3A_208 : memref<10000x128xf32, #tpu.memory_space<hbm>>) dst(%arg9 : memref<80x128xf32, #tpu.memory_space<vmem>>)
    %dma_start3A_209 = arith.constant 0 : i32
    %dma_start3A_210 = arith.constant 0 : i32
    %dma_start3A_211 = tpu.memref_slice %arg8[%dma_start3A_209, %dma_start3A_210] : memref<125x80xi32, #tpu.memory_space<vmem>> -> memref<1x80xi32, #tpu.memory_space<vmem>>
    %dma_start3A_212 = tpu.memref_squeeze %dma_start3A_211 : memref<1x80xi32, #tpu.memory_space<vmem>> -> memref<80xi32, #tpu.memory_space<vmem>>
    %dma_start3A_213 = arith.constant 0 : i32
    %dma_start3A_214 = arith.constant 0 : i32
    %dma_start3A_215 = tpu.memref_slice %arg11[%dma_start3A_213, %dma_start3A_214] : memref<10000x128xf32, #tpu.memory_space<vmem_shared>> -> memref<10000x128xf32, #tpu.memory_space<vmem_shared>>
    tpu.enqueue_indirect_dma source(%arg9 : memref<80x128xf32, #tpu.memory_space<vmem>>) target(%dma_start3A_215 : memref<10000x128xf32, #tpu.memory_space<vmem_shared>>) offsets(%dma_start3A_212 : memref<80xi32, #tpu.memory_space<vmem>>) semaphore(%arg14 : memref<!tpu.dma_semaphore, #tpu.memory_space<semaphore_mem>>) {add = true}
    %dma_start3A_216 = arith.constant 0 : i32
    %dma_start3A_217 = arith.constant 0 : i32
    %dma_start3A_218 = tpu.memref_slice %arg8[%dma_start3A_216, %dma_start3A_217] : memref<125x80xi32, #tpu.memory_space<vmem>> -> memref<1x80xi32, #tpu.memory_space<vmem>>
    %dma_start3A_219 = tpu.memref_squeeze %dma_start3A_218 : memref<1x80xi32, #tpu.memory_space<vmem>> -> memref<80xi32, #tpu.memory_space<vmem>>
    %dma_start3A_220 = arith.constant 0 : i32
    %dma_start3A_221 = tpu.memref_slice %arg18[%dma_start3A_220] : memref<10000xf32, #tpu.memory_space<vmem_shared>> -> memref<10000xf32, #tpu.memory_space<vmem_shared>>
    tpu.enqueue_indirect_dma source(%arg16 : memref<80xf32, #tpu.memory_space<vmem>>) target(%dma_start3A_221 : memref<10000xf32, #tpu.memory_space<vmem_shared>>) offsets(%dma_start3A_219 : memref<80xi32, #tpu.memory_space<vmem>>) semaphore(%arg19 : memref<!tpu.dma_semaphore, #tpu.memory_space<semaphore_mem>>) {add = true}
    %dma_wait3A_222 = arith.constant 0 : i32
    %dma_wait3A_223 = tpu.memref_slice %arg7[%dma_wait3A_222] : memref<10000xi32, #tpu.memory_space<vmem>> -> memref<80xi32, #tpu.memory_space<vmem>>
    %dma_wait3A_224 = arith.constant 0 : i32
    %dma_wait3A_225 = arith.constant 0 : i32
    %dma_wait3A_226 = tpu.memref_slice %arg2[%dma_wait3A_224, %dma_wait3A_225] : memref<10000x128xf32, #tpu.memory_space<hbm>> -> memref<10000x128xf32, #tpu.memory_space<hbm>>
    tpu.wait_indirect_dma semaphore(%arg13 : memref<!tpu.dma_semaphore, #tpu.memory_space<semaphore_mem>>) src(%dma_wait3A_226 : memref<10000x128xf32, #tpu.memory_space<hbm>>) dst(%arg10 : memref<80x128xf32, #tpu.memory_space<vmem>>)
    %dma_start3A_227 = arith.constant 1 : i32
    %dma_start3A_228 = arith.constant 0 : i32
    %dma_start3A_229 = tpu.memref_slice %arg8[%dma_start3A_227, %dma_start3A_228] : memref<125x80xi32, #tpu.memory_space<vmem>> -> memref<1x80xi32, #tpu.memory_space<vmem>>
    %dma_start3A_230 = tpu.memref_squeeze %dma_start3A_229 : memref<1x80xi32, #tpu.memory_space<vmem>> -> memref<80xi32, #tpu.memory_space<vmem>>
    %dma_start3A_231 = arith.constant 0 : i32
    %dma_start3A_232 = arith.constant 0 : i32
    %dma_start3A_233 = tpu.memref_slice %arg11[%dma_start3A_231, %dma_start3A_232] : memref<10000x128xf32, #tpu.memory_space<vmem_shared>> -> memref<10000x128xf32, #tpu.memory_space<vmem_shared>>
    tpu.enqueue_indirect_dma source(%arg10 : memref<80x128xf32, #tpu.memory_space<vmem>>) target(%dma_start3A_233 : memref<10000x128xf32, #tpu.memory_space<vmem_shared>>) offsets(%dma_start3A_230 : memref<80xi32, #tpu.memory_space<vmem>>) semaphore(%arg15 : memref<!tpu.dma_semaphore, #tpu.memory_space<semaphore_mem>>) {add = true}
    %dma_start3A_234 = arith.constant 1 : i32
    %dma_start3A_235 = arith.constant 0 : i32
    %dma_start3A_236 = tpu.memref_slice %arg8[%dma_start3A_234, %dma_start3A_235] : memref<125x80xi32, #tpu.memory_space<vmem>> -> memref<1x80xi32, #tpu.memory_space<vmem>>
    %dma_start3A_237 = tpu.memref_squeeze %dma_start3A_236 : memref<1x80xi32, #tpu.memory_space<vmem>> -> memref<80xi32, #tpu.memory_space<vmem>>
    %dma_start3A_238 = arith.constant 0 : i32
    %dma_start3A_239 = tpu.memref_slice %arg18[%dma_start3A_238] : memref<10000xf32, #tpu.memory_space<vmem_shared>> -> memref<10000xf32, #tpu.memory_space<vmem_shared>>
    tpu.enqueue_indirect_dma source(%arg16 : memref<80xf32, #tpu.memory_space<vmem>>) target(%dma_start3A_239 : memref<10000xf32, #tpu.memory_space<vmem_shared>>) offsets(%dma_start3A_237 : memref<80xi32, #tpu.memory_space<vmem>>) semaphore(%arg19 : memref<!tpu.dma_semaphore, #tpu.memory_space<semaphore_mem>>) {add = true}
    %scan3A_240 = arith.constant 0 : i32
    %scan3A_241 = arith.constant 1 : i32
    %scan3A_242 = arith.constant 61 : i32
    %scan3A_243 = arith.addi %scan3A_241, %scan3A_242 : i32
    %scan3A_244 = arith.constant 1 : i32
    scf.for %scan3A_314 = %scan3A_241 to %scan3A_243 step %scan3A_244  : i32 {
      %mul3A_315 = arith.constant 2 : i32
      %mul3A_316 = arith.muli %mul3A_315, %scan3A_314 : i32
      %dma_wait3A_317 = arith.constant 0 : i32
      %dma_wait3A_318 = arith.constant 0 : i32
      %dma_wait3A_319 = tpu.memref_slice %arg8[%dma_wait3A_317, %dma_wait3A_318] : memref<125x80xi32, #tpu.memory_space<vmem>> -> memref<1x80xi32, #tpu.memory_space<vmem>>
      %dma_wait3A_320 = tpu.memref_squeeze %dma_wait3A_319 : memref<1x80xi32, #tpu.memory_space<vmem>> -> memref<80xi32, #tpu.memory_space<vmem>>
      %dma_wait3A_321 = arith.constant 0 : i32
      %dma_wait3A_322 = arith.constant 0 : i32
      %dma_wait3A_323 = tpu.memref_slice %arg11[%dma_wait3A_321, %dma_wait3A_322] : memref<10000x128xf32, #tpu.memory_space<vmem_shared>> -> memref<10000x128xf32, #tpu.memory_space<vmem_shared>>
      tpu.wait_indirect_dma semaphore(%arg14 : memref<!tpu.dma_semaphore, #tpu.memory_space<semaphore_mem>>) src(%arg9 : memref<80x128xf32, #tpu.memory_space<vmem>>) dst(%dma_wait3A_323 : memref<10000x128xf32, #tpu.memory_space<vmem_shared>>)
      %add3A_324 = arith.constant 0 : i32
      %add3A_325 = arith.addi %mul3A_316, %add3A_324 : i32
      %mul3A_326 = arith.constant 80 : i32
      %mul3A_327 = arith.muli %add3A_325, %mul3A_326 : i32
      %dma_start3A_328 = tpu.memref_slice %arg7[%mul3A_327] : memref<10000xi32, #tpu.memory_space<vmem>> -> memref<80xi32, #tpu.memory_space<vmem>>
      %dma_start3A_329 = arith.constant 0 : i32
      %dma_start3A_330 = arith.constant 0 : i32
      %dma_start3A_331 = tpu.memref_slice %arg2[%dma_start3A_329, %dma_start3A_330] : memref<10000x128xf32, #tpu.memory_space<hbm>> -> memref<10000x128xf32, #tpu.memory_space<hbm>>
      tpu.enqueue_indirect_dma source(%dma_start3A_331 : memref<10000x128xf32, #tpu.memory_space<hbm>>) target(%arg9 : memref<80x128xf32, #tpu.memory_space<vmem>>) offsets(%dma_start3A_328 : memref<80xi32, #tpu.memory_space<vmem>>) semaphore(%arg12 : memref<!tpu.dma_semaphore, #tpu.memory_space<semaphore_mem>>)
      %dma_wait3A_332 = arith.constant 0 : i32
      %dma_wait3A_333 = arith.constant 0 : i32
      %dma_wait3A_334 = tpu.memref_slice %arg8[%dma_wait3A_332, %dma_wait3A_333] : memref<125x80xi32, #tpu.memory_space<vmem>> -> memref<1x80xi32, #tpu.memory_space<vmem>>
      %dma_wait3A_335 = tpu.memref_squeeze %dma_wait3A_334 : memref<1x80xi32, #tpu.memory_space<vmem>> -> memref<80xi32, #tpu.memory_space<vmem>>
      %dma_wait3A_336 = arith.constant 0 : i32
      %dma_wait3A_337 = arith.constant 0 : i32
      %dma_wait3A_338 = tpu.memref_slice %arg11[%dma_wait3A_336, %dma_wait3A_337] : memref<10000x128xf32, #tpu.memory_space<vmem_shared>> -> memref<10000x128xf32, #tpu.memory_space<vmem_shared>>
      tpu.wait_indirect_dma semaphore(%arg15 : memref<!tpu.dma_semaphore, #tpu.memory_space<semaphore_mem>>) src(%arg10 : memref<80x128xf32, #tpu.memory_space<vmem>>) dst(%dma_wait3A_338 : memref<10000x128xf32, #tpu.memory_space<vmem_shared>>)
      %add3A_339 = arith.constant 1 : i32
      %add3A_340 = arith.addi %mul3A_316, %add3A_339 : i32
      %mul3A_341 = arith.constant 80 : i32
      %mul3A_342 = arith.muli %add3A_340, %mul3A_341 : i32
      %dma_start3A_343 = tpu.memref_slice %arg7[%mul3A_342] : memref<10000xi32, #tpu.memory_space<vmem>> -> memref<80xi32, #tpu.memory_space<vmem>>
      %dma_start3A_344 = arith.constant 0 : i32
      %dma_start3A_345 = arith.constant 0 : i32
      %dma_start3A_346 = tpu.memref_slice %arg2[%dma_start3A_344, %dma_start3A_345] : memref<10000x128xf32, #tpu.memory_space<hbm>> -> memref<10000x128xf32, #tpu.memory_space<hbm>>
      tpu.enqueue_indirect_dma source(%dma_start3A_346 : memref<10000x128xf32, #tpu.memory_space<hbm>>) target(%arg10 : memref<80x128xf32, #tpu.memory_space<vmem>>) offsets(%dma_start3A_343 : memref<80xi32, #tpu.memory_space<vmem>>) semaphore(%arg13 : memref<!tpu.dma_semaphore, #tpu.memory_space<semaphore_mem>>)
      %dma_wait3A_347 = arith.constant 0 : i32
      %dma_wait3A_348 = tpu.memref_slice %arg7[%dma_wait3A_347] : memref<10000xi32, #tpu.memory_space<vmem>> -> memref<80xi32, #tpu.memory_space<vmem>>
      %dma_wait3A_349 = arith.constant 0 : i32
      %dma_wait3A_350 = arith.constant 0 : i32
      %dma_wait3A_351 = tpu.memref_slice %arg2[%dma_wait3A_349, %dma_wait3A_350] : memref<10000x128xf32, #tpu.memory_space<hbm>> -> memref<10000x128xf32, #tpu.memory_space<hbm>>
      tpu.wait_indirect_dma semaphore(%arg12 : memref<!tpu.dma_semaphore, #tpu.memory_space<semaphore_mem>>) src(%dma_wait3A_351 : memref<10000x128xf32, #tpu.memory_space<hbm>>) dst(%arg9 : memref<80x128xf32, #tpu.memory_space<vmem>>)
      %add3A_352 = arith.constant 0 : i32
      %add3A_353 = arith.addi %mul3A_316, %add3A_352 : i32
      %dma_start3A_354 = arith.constant 0 : i32
      %dma_start3A_355 = tpu.memref_slice %arg8[%add3A_353, %dma_start3A_354] : memref<125x80xi32, #tpu.memory_space<vmem>> -> memref<1x80xi32, #tpu.memory_space<vmem>>
      %dma_start3A_356 = tpu.memref_squeeze %dma_start3A_355 : memref<1x80xi32, #tpu.memory_space<vmem>> -> memref<80xi32, #tpu.memory_space<vmem>>
      %dma_start3A_357 = arith.constant 0 : i32
      %dma_start3A_358 = arith.constant 0 : i32
      %dma_start3A_359 = tpu.memref_slice %arg11[%dma_start3A_357, %dma_start3A_358] : memref<10000x128xf32, #tpu.memory_space<vmem_shared>> -> memref<10000x128xf32, #tpu.memory_space<vmem_shared>>
      tpu.enqueue_indirect_dma source(%arg9 : memref<80x128xf32, #tpu.memory_space<vmem>>) target(%dma_start3A_359 : memref<10000x128xf32, #tpu.memory_space<vmem_shared>>) offsets(%dma_start3A_356 : memref<80xi32, #tpu.memory_space<vmem>>) semaphore(%arg14 : memref<!tpu.dma_semaphore, #tpu.memory_space<semaphore_mem>>) {add = true}
      %dma_start3A_360 = arith.constant 0 : i32
      %dma_start3A_361 = tpu.memref_slice %arg8[%add3A_353, %dma_start3A_360] : memref<125x80xi32, #tpu.memory_space<vmem>> -> memref<1x80xi32, #tpu.memory_space<vmem>>
      %dma_start3A_362 = tpu.memref_squeeze %dma_start3A_361 : memref<1x80xi32, #tpu.memory_space<vmem>> -> memref<80xi32, #tpu.memory_space<vmem>>
      %dma_start3A_363 = arith.constant 0 : i32
      %dma_start3A_364 = tpu.memref_slice %arg18[%dma_start3A_363] : memref<10000xf32, #tpu.memory_space<vmem_shared>> -> memref<10000xf32, #tpu.memory_space<vmem_shared>>
      tpu.enqueue_indirect_dma source(%arg16 : memref<80xf32, #tpu.memory_space<vmem>>) target(%dma_start3A_364 : memref<10000xf32, #tpu.memory_space<vmem_shared>>) offsets(%dma_start3A_362 : memref<80xi32, #tpu.memory_space<vmem>>) semaphore(%arg19 : memref<!tpu.dma_semaphore, #tpu.memory_space<semaphore_mem>>) {add = true}
      %dma_wait3A_365 = arith.constant 0 : i32
      %dma_wait3A_366 = tpu.memref_slice %arg7[%dma_wait3A_365] : memref<10000xi32, #tpu.memory_space<vmem>> -> memref<80xi32, #tpu.memory_space<vmem>>
      %dma_wait3A_367 = arith.constant 0 : i32
      %dma_wait3A_368 = arith.constant 0 : i32
      %dma_wait3A_369 = tpu.memref_slice %arg2[%dma_wait3A_367, %dma_wait3A_368] : memref<10000x128xf32, #tpu.memory_space<hbm>> -> memref<10000x128xf32, #tpu.memory_space<hbm>>
      tpu.wait_indirect_dma semaphore(%arg13 : memref<!tpu.dma_semaphore, #tpu.memory_space<semaphore_mem>>) src(%dma_wait3A_369 : memref<10000x128xf32, #tpu.memory_space<hbm>>) dst(%arg10 : memref<80x128xf32, #tpu.memory_space<vmem>>)
      %add3A_370 = arith.constant 1 : i32
      %add3A_371 = arith.addi %mul3A_316, %add3A_370 : i32
      %dma_start3A_372 = arith.constant 0 : i32
      %dma_start3A_373 = tpu.memref_slice %arg8[%add3A_371, %dma_start3A_372] : memref<125x80xi32, #tpu.memory_space<vmem>> -> memref<1x80xi32, #tpu.memory_space<vmem>>
      %dma_start3A_374 = tpu.memref_squeeze %dma_start3A_373 : memref<1x80xi32, #tpu.memory_space<vmem>> -> memref<80xi32, #tpu.memory_space<vmem>>
      %dma_start3A_375 = arith.constant 0 : i32
      %dma_start3A_376 = arith.constant 0 : i32
      %dma_start3A_377 = tpu.memref_slice %arg11[%dma_start3A_375, %dma_start3A_376] : memref<10000x128xf32, #tpu.memory_space<vmem_shared>> -> memref<10000x128xf32, #tpu.memory_space<vmem_shared>>
      tpu.enqueue_indirect_dma source(%arg10 : memref<80x128xf32, #tpu.memory_space<vmem>>) target(%dma_start3A_377 : memref<10000x128xf32, #tpu.memory_space<vmem_shared>>) offsets(%dma_start3A_374 : memref<80xi32, #tpu.memory_space<vmem>>) semaphore(%arg15 : memref<!tpu.dma_semaphore, #tpu.memory_space<semaphore_mem>>) {add = true}
      %dma_start3A_378 = arith.constant 0 : i32
      %dma_start3A_379 = tpu.memref_slice %arg8[%add3A_371, %dma_start3A_378] : memref<125x80xi32, #tpu.memory_space<vmem>> -> memref<1x80xi32, #tpu.memory_space<vmem>>
      %dma_start3A_380 = tpu.memref_squeeze %dma_start3A_379 : memref<1x80xi32, #tpu.memory_space<vmem>> -> memref<80xi32, #tpu.memory_space<vmem>>
      %dma_start3A_381 = arith.constant 0 : i32
      %dma_start3A_382 = tpu.memref_slice %arg18[%dma_start3A_381] : memref<10000xf32, #tpu.memory_space<vmem_shared>> -> memref<10000xf32, #tpu.memory_space<vmem_shared>>
      tpu.enqueue_indirect_dma source(%arg16 : memref<80xf32, #tpu.memory_space<vmem>>) target(%dma_start3A_382 : memref<10000xf32, #tpu.memory_space<vmem_shared>>) offsets(%dma_start3A_380 : memref<80xi32, #tpu.memory_space<vmem>>) semaphore(%arg19 : memref<!tpu.dma_semaphore, #tpu.memory_space<semaphore_mem>>) {add = true}
    }
    %scan3A_245 = arith.constant 61 : i32
    %dma_wait3A_246 = arith.constant 0 : i32
    %dma_wait3A_247 = arith.constant 0 : i32
    %dma_wait3A_248 = tpu.memref_slice %arg8[%dma_wait3A_246, %dma_wait3A_247] : memref<125x80xi32, #tpu.memory_space<vmem>> -> memref<1x80xi32, #tpu.memory_space<vmem>>
    %dma_wait3A_249 = tpu.memref_squeeze %dma_wait3A_248 : memref<1x80xi32, #tpu.memory_space<vmem>> -> memref<80xi32, #tpu.memory_space<vmem>>
    %dma_wait3A_250 = arith.constant 0 : i32
    %dma_wait3A_251 = arith.constant 0 : i32
    %dma_wait3A_252 = tpu.memref_slice %arg11[%dma_wait3A_250, %dma_wait3A_251] : memref<10000x128xf32, #tpu.memory_space<vmem_shared>> -> memref<10000x128xf32, #tpu.memory_space<vmem_shared>>
    tpu.wait_indirect_dma semaphore(%arg14 : memref<!tpu.dma_semaphore, #tpu.memory_space<semaphore_mem>>) src(%arg9 : memref<80x128xf32, #tpu.memory_space<vmem>>) dst(%dma_wait3A_252 : memref<10000x128xf32, #tpu.memory_space<vmem_shared>>)
    %dma_start3A_253 = arith.constant 9920 : i32
    %dma_start3A_254 = tpu.memref_slice %arg7[%dma_start3A_253] : memref<10000xi32, #tpu.memory_space<vmem>> -> memref<80xi32, #tpu.memory_space<vmem>>
    %dma_start3A_255 = arith.constant 0 : i32
    %dma_start3A_256 = arith.constant 0 : i32
    %dma_start3A_257 = tpu.memref_slice %arg2[%dma_start3A_255, %dma_start3A_256] : memref<10000x128xf32, #tpu.memory_space<hbm>> -> memref<10000x128xf32, #tpu.memory_space<hbm>>
    tpu.enqueue_indirect_dma source(%dma_start3A_257 : memref<10000x128xf32, #tpu.memory_space<hbm>>) target(%arg9 : memref<80x128xf32, #tpu.memory_space<vmem>>) offsets(%dma_start3A_254 : memref<80xi32, #tpu.memory_space<vmem>>) semaphore(%arg12 : memref<!tpu.dma_semaphore, #tpu.memory_space<semaphore_mem>>)
    %dma_wait3A_258 = arith.constant 0 : i32
    %dma_wait3A_259 = tpu.memref_slice %arg7[%dma_wait3A_258] : memref<10000xi32, #tpu.memory_space<vmem>> -> memref<80xi32, #tpu.memory_space<vmem>>
    %dma_wait3A_260 = arith.constant 0 : i32
    %dma_wait3A_261 = arith.constant 0 : i32
    %dma_wait3A_262 = tpu.memref_slice %arg2[%dma_wait3A_260, %dma_wait3A_261] : memref<10000x128xf32, #tpu.memory_space<hbm>> -> memref<10000x128xf32, #tpu.memory_space<hbm>>
    tpu.wait_indirect_dma semaphore(%arg12 : memref<!tpu.dma_semaphore, #tpu.memory_space<semaphore_mem>>) src(%dma_wait3A_262 : memref<10000x128xf32, #tpu.memory_space<hbm>>) dst(%arg9 : memref<80x128xf32, #tpu.memory_space<vmem>>)
    %dma_start3A_263 = arith.constant 124 : i32
    %dma_start3A_264 = arith.constant 0 : i32
    %dma_start3A_265 = tpu.memref_slice %arg8[%dma_start3A_263, %dma_start3A_264] : memref<125x80xi32, #tpu.memory_space<vmem>> -> memref<1x80xi32, #tpu.memory_space<vmem>>
    %dma_start3A_266 = tpu.memref_squeeze %dma_start3A_265 : memref<1x80xi32, #tpu.memory_space<vmem>> -> memref<80xi32, #tpu.memory_space<vmem>>
    %dma_start3A_267 = arith.constant 0 : i32
    %dma_start3A_268 = arith.constant 0 : i32
    %dma_start3A_269 = tpu.memref_slice %arg11[%dma_start3A_267, %dma_start3A_268] : memref<10000x128xf32, #tpu.memory_space<vmem_shared>> -> memref<10000x128xf32, #tpu.memory_space<vmem_shared>>
    tpu.enqueue_indirect_dma source(%arg9 : memref<80x128xf32, #tpu.memory_space<vmem>>) target(%dma_start3A_269 : memref<10000x128xf32, #tpu.memory_space<vmem_shared>>) offsets(%dma_start3A_266 : memref<80xi32, #tpu.memory_space<vmem>>) semaphore(%arg14 : memref<!tpu.dma_semaphore, #tpu.memory_space<semaphore_mem>>) {add = true}
    %dma_start3A_270 = arith.constant 124 : i32
    %dma_start3A_271 = arith.constant 0 : i32
    %dma_start3A_272 = tpu.memref_slice %arg8[%dma_start3A_270, %dma_start3A_271] : memref<125x80xi32, #tpu.memory_space<vmem>> -> memref<1x80xi32, #tpu.memory_space<vmem>>
    %dma_start3A_273 = tpu.memref_squeeze %dma_start3A_272 : memref<1x80xi32, #tpu.memory_space<vmem>> -> memref<80xi32, #tpu.memory_space<vmem>>
    %dma_start3A_274 = arith.constant 0 : i32
    %dma_start3A_275 = tpu.memref_slice %arg18[%dma_start3A_274] : memref<10000xf32, #tpu.memory_space<vmem_shared>> -> memref<10000xf32, #tpu.memory_space<vmem_shared>>
    tpu.enqueue_indirect_dma source(%arg16 : memref<80xf32, #tpu.memory_space<vmem>>) target(%dma_start3A_275 : memref<10000xf32, #tpu.memory_space<vmem_shared>>) offsets(%dma_start3A_273 : memref<80xi32, #tpu.memory_space<vmem>>) semaphore(%arg19 : memref<!tpu.dma_semaphore, #tpu.memory_space<semaphore_mem>>) {add = true}
    %dma_wait3A_276 = arith.constant 0 : i32
    %dma_wait3A_277 = arith.constant 0 : i32
    %dma_wait3A_278 = tpu.memref_slice %arg8[%dma_wait3A_276, %dma_wait3A_277] : memref<125x80xi32, #tpu.memory_space<vmem>> -> memref<1x80xi32, #tpu.memory_space<vmem>>
    %dma_wait3A_279 = tpu.memref_squeeze %dma_wait3A_278 : memref<1x80xi32, #tpu.memory_space<vmem>> -> memref<80xi32, #tpu.memory_space<vmem>>
    %dma_wait3A_280 = arith.constant 0 : i32
    %dma_wait3A_281 = arith.constant 0 : i32
    %dma_wait3A_282 = tpu.memref_slice %arg11[%dma_wait3A_280, %dma_wait3A_281] : memref<10000x128xf32, #tpu.memory_space<vmem_shared>> -> memref<10000x128xf32, #tpu.memory_space<vmem_shared>>
    tpu.wait_indirect_dma semaphore(%arg14 : memref<!tpu.dma_semaphore, #tpu.memory_space<semaphore_mem>>) src(%arg9 : memref<80x128xf32, #tpu.memory_space<vmem>>) dst(%dma_wait3A_282 : memref<10000x128xf32, #tpu.memory_space<vmem_shared>>)
    %dma_wait3A_283 = arith.constant 0 : i32
    %dma_wait3A_284 = arith.constant 0 : i32
    %dma_wait3A_285 = tpu.memref_slice %arg8[%dma_wait3A_283, %dma_wait3A_284] : memref<125x80xi32, #tpu.memory_space<vmem>> -> memref<1x80xi32, #tpu.memory_space<vmem>>
    %dma_wait3A_286 = tpu.memref_squeeze %dma_wait3A_285 : memref<1x80xi32, #tpu.memory_space<vmem>> -> memref<80xi32, #tpu.memory_space<vmem>>
    %dma_wait3A_287 = arith.constant 0 : i32
    %dma_wait3A_288 = arith.constant 0 : i32
    %dma_wait3A_289 = tpu.memref_slice %arg11[%dma_wait3A_287, %dma_wait3A_288] : memref<10000x128xf32, #tpu.memory_space<vmem_shared>> -> memref<10000x128xf32, #tpu.memory_space<vmem_shared>>
    tpu.wait_indirect_dma semaphore(%arg15 : memref<!tpu.dma_semaphore, #tpu.memory_space<semaphore_mem>>) src(%arg10 : memref<80x128xf32, #tpu.memory_space<vmem>>) dst(%dma_wait3A_289 : memref<10000x128xf32, #tpu.memory_space<vmem_shared>>)
    %scan3A_290 = arith.constant 0 : i32
    %scan3A_291 = arith.constant 0 : i32
    %scan3A_292 = arith.constant 125 : i32
    %scan3A_293 = arith.addi %scan3A_291, %scan3A_292 : i32
    %scan3A_294 = arith.constant 1 : i32
    scf.for %scan3A_314 = %scan3A_291 to %scan3A_293 step %scan3A_294  : i32 {
      %dma_wait3A_315 = arith.constant 0 : i32
      %dma_wait3A_316 = arith.constant 0 : i32
      %dma_wait3A_317 = tpu.memref_slice %arg8[%dma_wait3A_315, %dma_wait3A_316] : memref<125x80xi32, #tpu.memory_space<vmem>> -> memref<1x80xi32, #tpu.memory_space<vmem>>
      %dma_wait3A_318 = tpu.memref_squeeze %dma_wait3A_317 : memref<1x80xi32, #tpu.memory_space<vmem>> -> memref<80xi32, #tpu.memory_space<vmem>>
      %dma_wait3A_319 = arith.constant 0 : i32
      %dma_wait3A_320 = tpu.memref_slice %arg18[%dma_wait3A_319] : memref<10000xf32, #tpu.memory_space<vmem_shared>> -> memref<10000xf32, #tpu.memory_space<vmem_shared>>
      tpu.wait_indirect_dma semaphore(%arg19 : memref<!tpu.dma_semaphore, #tpu.memory_space<semaphore_mem>>) src(%arg16 : memref<80xf32, #tpu.memory_space<vmem>>) dst(%dma_wait3A_320 : memref<10000xf32, #tpu.memory_space<vmem_shared>>)
    }
    %scan3A_295 = arith.constant 125 : i32
    %barrier3A_296 = arith.constant 0 : index
    tpu.barrier barrier_id(%barrier3A_296)
    %mul3A_297 = arith.constant 624 : i32
    %mul3A_298 = arith.muli %arg1, %mul3A_297 : i32
    %mul3A_299 = arith.constant 10000 : i32
    %mul3A_300 = arith.muli %arg0, %mul3A_299 : i32
    %mul3A_301 = arith.constant 624 : i32
    %mul3A_302 = arith.muli %arg1, %mul3A_301 : i32
    %add3A_303 = arith.addi %mul3A_300, %mul3A_302 : i32
    "tpu.region"() ({
      %run_scoped3A = tpu.sem_alloc : memref<!tpu.dma_semaphore, #tpu.memory_space<semaphore_mem>>
      %dma_start3A_314 = arith.constant 0 : i32
      %dma_start3A_315 = tpu.memref_slice %arg5[%add3A_303, %dma_start3A_314] : memref<20000x128xf32, #tpu.memory_space<hbm>> -> memref<624x128xf32, #tpu.memory_space<hbm>>
      %dma_start3A_316 = arith.constant 0 : i32
      %dma_start3A_317 = tpu.memref_slice %arg11[%mul3A_298, %dma_start3A_316] : memref<10000x128xf32, #tpu.memory_space<vmem_shared>> -> memref<624x128xf32, #tpu.memory_space<vmem_shared>>
      tpu.enqueue_dma source(%dma_start3A_317 : memref<624x128xf32, #tpu.memory_space<vmem_shared>>) target(%dma_start3A_315 : memref<624x128xf32, #tpu.memory_space<hbm>>) target_semaphore(%run_scoped3A : memref<!tpu.dma_semaphore, #tpu.memory_space<semaphore_mem>>)
      %dma_wait3A_318 = arith.constant 0 : i32
      %dma_wait3A_319 = tpu.memref_slice %arg5[%add3A_303, %dma_wait3A_318] : memref<20000x128xf32, #tpu.memory_space<hbm>> -> memref<624x128xf32, #tpu.memory_space<hbm>>
      %dma_wait3A_320 = arith.constant 0 : i32
      %dma_wait3A_321 = tpu.memref_slice %arg11[%mul3A_298, %dma_wait3A_320] : memref<10000x128xf32, #tpu.memory_space<vmem_shared>> -> memref<624x128xf32, #tpu.memory_space<vmem_shared>>
      tpu.wait_dma2 semaphore(%run_scoped3A : memref<!tpu.dma_semaphore, #tpu.memory_space<semaphore_mem>>) src(%dma_wait3A_321 : memref<624x128xf32, #tpu.memory_space<vmem_shared>>) dst(%dma_wait3A_319 : memref<624x128xf32, #tpu.memory_space<hbm>>)
      tpu.yield
    }) : () -> ()
    %eq3A_304 = arith.constant 0 : i32
    %eq3A_305 = arith.cmpi eq, %arg1, %eq3A_304 : i32
    %convert_element_type3A_306 = arith.extui %eq3A_305 : i1 to i32
    %cond3A_307 = arith.constant 0 : i32
    %cond3A_308 = arith.cmpi ne, %convert_element_type3A_306, %cond3A_307 : i32
    scf.if %cond3A_308 {
      %mul3A_314 = arith.constant 10000 : i32
      %mul3A_315 = arith.muli %arg0, %mul3A_314 : i32
      %add3A_316 = arith.constant 9984 : i32
      %add3A_317 = arith.addi %mul3A_315, %add3A_316 : i32
      "tpu.region"() ({
        %run_scoped3A = tpu.sem_alloc : memref<!tpu.dma_semaphore, #tpu.memory_space<semaphore_mem>>
        %dma_start3A_318 = arith.constant 0 : i32
        %dma_start3A_319 = tpu.memref_slice %arg5[%add3A_317, %dma_start3A_318] : memref<20000x128xf32, #tpu.memory_space<hbm>> -> memref<16x128xf32, #tpu.memory_space<hbm>>
        %dma_start3A_320 = arith.constant 9984 : i32
        %dma_start3A_321 = arith.constant 0 : i32
        %dma_start3A_322 = tpu.memref_slice %arg11[%dma_start3A_320, %dma_start3A_321] : memref<10000x128xf32, #tpu.memory_space<vmem_shared>> -> memref<16x128xf32, #tpu.memory_space<vmem_shared>>
        tpu.enqueue_dma source(%dma_start3A_322 : memref<16x128xf32, #tpu.memory_space<vmem_shared>>) target(%dma_start3A_319 : memref<16x128xf32, #tpu.memory_space<hbm>>) target_semaphore(%run_scoped3A : memref<!tpu.dma_semaphore, #tpu.memory_space<semaphore_mem>>)
        %dma_wait3A_323 = arith.constant 0 : i32
        %dma_wait3A_324 = tpu.memref_slice %arg5[%add3A_317, %dma_wait3A_323] : memref<20000x128xf32, #tpu.memory_space<hbm>> -> memref<16x128xf32, #tpu.memory_space<hbm>>
        %dma_wait3A_325 = arith.constant 9984 : i32
        %dma_wait3A_326 = arith.constant 0 : i32
        %dma_wait3A_327 = tpu.memref_slice %arg11[%dma_wait3A_325, %dma_wait3A_326] : memref<10000x128xf32, #tpu.memory_space<vmem_shared>> -> memref<16x128xf32, #tpu.memory_space<vmem_shared>>
        tpu.wait_dma2 semaphore(%run_scoped3A : memref<!tpu.dma_semaphore, #tpu.memory_space<semaphore_mem>>) src(%dma_wait3A_327 : memref<16x128xf32, #tpu.memory_space<vmem_shared>>) dst(%dma_wait3A_324 : memref<16x128xf32, #tpu.memory_space<hbm>>)
        tpu.yield
      }) : () -> ()
    } else {
    }
    %lt3A_309 = arith.constant 10 : i32
    %lt3A_310 = arith.cmpi slt, %arg1, %lt3A_309 : i32
    %convert_element_type3A_311 = arith.extui %lt3A_310 : i1 to i32
    %cond3A_312 = arith.constant 0 : i32
    %cond3A_313 = arith.cmpi ne, %convert_element_type3A_311, %cond3A_312 : i32
    scf.if %cond3A_313 {
      %mul3A_314 = arith.constant 1000 : i32
      %mul3A_315 = arith.muli %arg1, %mul3A_314 : i32
      "tpu.region"() ({
        %run_scoped3A = tpu.sem_alloc : memref<!tpu.dma_semaphore, #tpu.memory_space<semaphore_mem>>
        %dma_start3A_321 = arith.constant 0 : i32
        %dma_start3A_322 = tpu.memref_slice %arg17[%dma_start3A_321] : memref<1008xf32, #tpu.memory_space<vmem>> -> memref<1000xf32, #tpu.memory_space<vmem>>
        %dma_start3A_323 = tpu.memref_slice %arg18[%mul3A_315] : memref<10000xf32, #tpu.memory_space<vmem_shared>> -> memref<1000xf32, #tpu.memory_space<vmem_shared>>
        %dma_start3A_324 = arith.constant 0 : i32
        %dma_start3A_325 = tpu.memref_slice %arg17[%dma_start3A_324] : memref<1008xf32, #tpu.memory_space<vmem>> -> memref<1000xf32, #tpu.memory_space<vmem>>
        %dma_start3A_326 = tpu.memref_slice %arg18[%mul3A_315] : memref<10000xf32, #tpu.memory_space<vmem_shared>> -> memref<1000xf32, #tpu.memory_space<vmem_shared>>
        tpu.enqueue_dma source(%dma_start3A_326 : memref<1000xf32, #tpu.memory_space<vmem_shared>>) target(%dma_start3A_325 : memref<1000xf32, #tpu.memory_space<vmem>>) target_semaphore(%run_scoped3A : memref<!tpu.dma_semaphore, #tpu.memory_space<semaphore_mem>>)
        %dma_wait3A_327 = arith.constant 0 : i32
        %dma_wait3A_328 = tpu.memref_slice %arg17[%dma_wait3A_327] : memref<1008xf32, #tpu.memory_space<vmem>> -> memref<1000xf32, #tpu.memory_space<vmem>>
        %dma_wait3A_329 = tpu.memref_slice %arg18[%mul3A_315] : memref<10000xf32, #tpu.memory_space<vmem_shared>> -> memref<1000xf32, #tpu.memory_space<vmem_shared>>
        %dma_wait3A_330 = arith.constant 0 : i32
        %dma_wait3A_331 = tpu.memref_slice %arg17[%dma_wait3A_330] : memref<1008xf32, #tpu.memory_space<vmem>> -> memref<1000xf32, #tpu.memory_space<vmem>>
        %dma_wait3A_332 = tpu.memref_slice %arg18[%mul3A_315] : memref<10000xf32, #tpu.memory_space<vmem_shared>> -> memref<1000xf32, #tpu.memory_space<vmem_shared>>
        tpu.wait_dma2 semaphore(%run_scoped3A : memref<!tpu.dma_semaphore, #tpu.memory_space<semaphore_mem>>) src(%dma_wait3A_332 : memref<1000xf32, #tpu.memory_space<vmem_shared>>) dst(%dma_wait3A_331 : memref<1000xf32, #tpu.memory_space<vmem>>)
        tpu.yield
      }) : () -> ()
      %mul3A_316 = arith.constant 10000 : i32
      %mul3A_317 = arith.muli %arg0, %mul3A_316 : i32
      %mul3A_318 = arith.constant 1000 : i32
      %mul3A_319 = arith.muli %arg1, %mul3A_318 : i32
      %add3A_320 = arith.addi %mul3A_317, %mul3A_319 : i32
      "tpu.region"() ({
        %run_scoped3A = tpu.sem_alloc : memref<!tpu.dma_semaphore, #tpu.memory_space<semaphore_mem>>
        %dma_start3A_321 = arith.constant 0 : i32
        %dma_start3A_322 = tpu.memref_slice %arg17[%dma_start3A_321] : memref<1008xf32, #tpu.memory_space<vmem>> -> memref<1000xf32, #tpu.memory_space<vmem>>
        %dma_start3A_323 = tpu.memref_slice %arg6[%add3A_320] : memref<20000xf32, #tpu.memory_space<hbm>> -> memref<1000xf32, #tpu.memory_space<hbm>>
        %dma_start3A_324 = tpu.memref_slice %arg6[%add3A_320] : memref<20000xf32, #tpu.memory_space<hbm>> -> memref<1000xf32, #tpu.memory_space<hbm>>
        %dma_start3A_325 = arith.constant 0 : i32
        %dma_start3A_326 = tpu.memref_slice %arg17[%dma_start3A_325] : memref<1008xf32, #tpu.memory_space<vmem>> -> memref<1000xf32, #tpu.memory_space<vmem>>
        tpu.enqueue_dma source(%dma_start3A_326 : memref<1000xf32, #tpu.memory_space<vmem>>) target(%dma_start3A_324 : memref<1000xf32, #tpu.memory_space<hbm>>) target_semaphore(%run_scoped3A : memref<!tpu.dma_semaphore, #tpu.memory_space<semaphore_mem>>)
        %dma_wait3A_327 = arith.constant 0 : i32
        %dma_wait3A_328 = tpu.memref_slice %arg17[%dma_wait3A_327] : memref<1008xf32, #tpu.memory_space<vmem>> -> memref<1000xf32, #tpu.memory_space<vmem>>
        %dma_wait3A_329 = tpu.memref_slice %arg6[%add3A_320] : memref<20000xf32, #tpu.memory_space<hbm>> -> memref<1000xf32, #tpu.memory_space<hbm>>
        %dma_wait3A_330 = tpu.memref_slice %arg6[%add3A_320] : memref<20000xf32, #tpu.memory_space<hbm>> -> memref<1000xf32, #tpu.memory_space<hbm>>
        %dma_wait3A_331 = arith.constant 0 : i32
        %dma_wait3A_332 = tpu.memref_slice %arg17[%dma_wait3A_331] : memref<1008xf32, #tpu.memory_space<vmem>> -> memref<1000xf32, #tpu.memory_space<vmem>>
        tpu.wait_dma2 semaphore(%run_scoped3A : memref<!tpu.dma_semaphore, #tpu.memory_space<semaphore_mem>>) src(%dma_wait3A_332 : memref<1000xf32, #tpu.memory_space<vmem>>) dst(%dma_wait3A_330 : memref<1000xf32, #tpu.memory_space<hbm>>)
        tpu.yield
      }) : () -> ()
    } else {
    }
    return
  }
}

module attributes {stable_mosaic.version = 14 : i64} {
  func.func @_dense_body(%arg0: i32, %arg1: memref<1000x128xf32, #tpu.memory_space<vmem>>, %arg2: memref<1000x128xf32, #tpu.memory_space<vmem>>, %arg3: memref<1000x1xf32, #tpu.memory_space<vmem>>, %arg4: memref<1000x1xf32, #tpu.memory_space<vmem>>, %arg5: memref<128x256xf32, #tpu.memory_space<vmem>>, %arg6: memref<1x256xf32, #tpu.memory_space<vmem>>, %arg7: memref<256x64xf32, #tpu.memory_space<vmem>>, %arg8: memref<1000x128xf32, #tpu.memory_space<vmem>>) attributes {dimension_semantics = [#tpu.dimension_semantics<arbitrary>], iteration_bounds = array<i64: 10>, scalar_prefetch = 0 : i64, scratch_operands = 0 : i64, tpu.core_type = #tpu.core_type<tc>, window_params = [{transform_indices = @transform_0, window_bounds = array<i64: 1000, 128>}, {transform_indices = @transform_1, window_bounds = array<i64: 1000, 128>}, {transform_indices = @transform_2, window_bounds = array<i64: 1000, 1>}, {transform_indices = @transform_3, window_bounds = array<i64: 1000, 1>}, {pipeline_mode = #tpu.pipeline_mode<synchronous>, transform_indices = @transform_4, window_bounds = array<i64: 128, 256>}, {pipeline_mode = #tpu.pipeline_mode<synchronous>, transform_indices = @transform_5, window_bounds = array<i64: 1, 256>}, {pipeline_mode = #tpu.pipeline_mode<synchronous>, transform_indices = @transform_6, window_bounds = array<i64: 256, 64>}, {transform_indices = @transform_7, window_bounds = array<i64: 1000, 128>}]} {
    %get3A = arith.constant 0 : index
    %get3A_0 = arith.constant 0 : index
    %get3A_1 = vector.load %arg3[%get3A, %get3A_0] : memref<1000x1xf32, #tpu.memory_space<vmem>>, vector<1000x1xf32>
    %get3A_2 = arith.constant 0 : index
    %get3A_3 = arith.constant 0 : index
    %get3A_4 = vector.load %arg4[%get3A_2, %get3A_3] : memref<1000x1xf32, #tpu.memory_space<vmem>>, vector<1000x1xf32>
    %add3A = arith.addf %get3A_1, %get3A_4 : vector<1000x1xf32>
    %max3A = arith.constant 1.000000e+00 : f32
    %max3A_5 = vector.broadcast %max3A : f32 to vector<1000x1xf32>
    %max3A_6 = arith.maximumf %add3A, %max3A_5 : vector<1000x1xf32>
    %get3A_7 = arith.constant 0 : index
    %get3A_8 = arith.constant 0 : index
    %get3A_9 = vector.load %arg1[%get3A_7, %get3A_8] : memref<1000x128xf32, #tpu.memory_space<vmem>>, vector<1000x128xf32>
    %get3A_10 = arith.constant 0 : index
    %get3A_11 = arith.constant 0 : index
    %get3A_12 = vector.load %arg2[%get3A_10, %get3A_11] : memref<1000x128xf32, #tpu.memory_space<vmem>>, vector<1000x128xf32>
    %add3A_13 = arith.addf %get3A_9, %get3A_12 : vector<1000x128xf32>
    %div3A = vector.broadcast %max3A_6 : vector<1000x1xf32> to vector<1000x128xf32>
    %div3A_14 = arith.divf %add3A_13, %div3A : vector<1000x128xf32>
    %get3A_15 = arith.constant 0 : index
    %get3A_16 = arith.constant 0 : index
    %get3A_17 = vector.load %arg5[%get3A_15, %get3A_16] : memref<128x256xf32, #tpu.memory_space<vmem>>, vector<128x256xf32>
    %dot_general3A = arith.constant dense<0.000000e+00> : vector<1000x256xf32>
    %dot_general3A_18 = tpu.matmul %div3A_14, %get3A_17, %dot_general3A {dimension_numbers = #tpu.dot_dimension_numbers<[1], [0], [0], [1], [0, 0, 1, 1], [], []>, transpose_lhs_hint = false} : vector<1000x128xf32>, vector<128x256xf32>, vector<1000x256xf32> -> vector<1000x256xf32>
    %get3A_19 = arith.constant 0 : index
    %get3A_20 = arith.constant 0 : index
    %get3A_21 = vector.load %arg6[%get3A_19, %get3A_20] : memref<1x256xf32, #tpu.memory_space<vmem>>, vector<1x256xf32>
    %add3A_22 = vector.broadcast %get3A_21 : vector<1x256xf32> to vector<1000x256xf32>
    %add3A_23 = arith.addf %dot_general3A_18, %add3A_22 : vector<1000x256xf32>
    %max3A_24 = arith.constant 0.000000e+00 : f32
    %max3A_25 = vector.broadcast %max3A_24 : f32 to vector<1000x256xf32>
    %max3A_26 = arith.maximumf %add3A_23, %max3A_25 : vector<1000x256xf32>
    %get3A_27 = arith.constant 0 : index
    %get3A_28 = arith.constant 0 : index
    %get3A_29 = vector.load %arg7[%get3A_27, %get3A_28] : memref<256x64xf32, #tpu.memory_space<vmem>>, vector<256x64xf32>
    %dot_general3A_30 = arith.constant dense<0.000000e+00> : vector<1000x64xf32>
    %dot_general3A_31 = tpu.matmul %max3A_26, %get3A_29, %dot_general3A_30 {dimension_numbers = #tpu.dot_dimension_numbers<[1], [0], [0], [1], [0, 0, 1, 1], [], []>, transpose_lhs_hint = false} : vector<1000x256xf32>, vector<256x64xf32>, vector<1000x64xf32> -> vector<1000x64xf32>
    %broadcast_in_dim3A = arith.constant 0.000000e+00 : f32
    %broadcast_in_dim3A_32 = vector.broadcast %broadcast_in_dim3A : f32 to vector<1000x64xf32>
    %concatenate3A = tpu.concatenate %dot_general3A_31, %broadcast_in_dim3A_32 in 1 : vector<1000x64xf32>, vector<1000x64xf32> -> vector<1000x128xf32>
    %swap3A = arith.constant 0 : index
    %swap3A_33 = arith.constant 0 : index
    %swap3A_34 = vector.load %arg8[%swap3A, %swap3A_33] : memref<1000x128xf32, #tpu.memory_space<vmem>>, vector<1000x128xf32>
    tpu.vector_store %arg8[%swap3A, %swap3A_33], %concatenate3A {strides = array<i32>} : memref<1000x128xf32, #tpu.memory_space<vmem>>, vector<1000x128xf32>,
    return
  }
  func.func @transform_0(%arg0: i32) -> (i32, i32) {
    %c0_i32 = arith.constant 0 : i32
    %c0_i32_0 = arith.constant 0 : i32
    return %arg0, %c0_i32 : i32, i32
  }
  func.func @transform_1(%arg0: i32) -> (i32, i32) {
    %add3A = arith.constant 10 : i32
    %add3A_0 = arith.addi %arg0, %add3A : i32
    %c0_i32 = arith.constant 0 : i32
    %c0_i32_1 = arith.constant 0 : i32
    return %add3A_0, %c0_i32 : i32, i32
  }
  func.func @transform_2(%arg0: i32) -> (i32, i32) {
    %c0_i32 = arith.constant 0 : i32
    %c0_i32_0 = arith.constant 0 : i32
    return %arg0, %c0_i32 : i32, i32
  }
  func.func @transform_3(%arg0: i32) -> (i32, i32) {
    %add3A = arith.constant 10 : i32
    %add3A_0 = arith.addi %arg0, %add3A : i32
    %c0_i32 = arith.constant 0 : i32
    %c0_i32_1 = arith.constant 0 : i32
    return %add3A_0, %c0_i32 : i32, i32
  }
  func.func @transform_4(%arg0: i32) -> (i32, i32) {
    %c0_i32 = arith.constant 0 : i32
    %c0_i32_0 = arith.constant 0 : i32
    %c0_i32_1 = arith.constant 0 : i32
    return %c0_i32, %c0_i32_0 : i32, i32
  }
  func.func @transform_5(%arg0: i32) -> (i32, i32) {
    %c0_i32 = arith.constant 0 : i32
    %c0_i32_0 = arith.constant 0 : i32
    %c0_i32_1 = arith.constant 0 : i32
    return %c0_i32, %c0_i32_0 : i32, i32
  }
  func.func @transform_6(%arg0: i32) -> (i32, i32) {
    %c0_i32 = arith.constant 0 : i32
    %c0_i32_0 = arith.constant 0 : i32
    %c0_i32_1 = arith.constant 0 : i32
    return %c0_i32, %c0_i32_0 : i32, i32
  }
  func.func @transform_7(%arg0: i32) -> (i32, i32) {
    %c0_i32 = arith.constant 0 : i32
    %c0_i32_0 = arith.constant 0 : i32
    return %arg0, %c0_i32 : i32, i32
  }
}

module attributes {stable_mosaic.version = 14 : i64} {
  func.func @_combine_body(%arg0: i32, %arg1: memref<1000x128xf32, #tpu.memory_space<vmem>>, %arg2: memref<1000x128xf32, #tpu.memory_space<vmem>>, %arg3: memref<1000x1xf32, #tpu.memory_space<vmem>>, %arg4: memref<1000x1xf32, #tpu.memory_space<vmem>>, %arg5: memref<1x64xf32, #tpu.memory_space<vmem>>, %arg6: memref<1000x64xf32, #tpu.memory_space<vmem>>) attributes {dimension_semantics = [#tpu.dimension_semantics<arbitrary>], iteration_bounds = array<i64: 10>, scalar_prefetch = 0 : i64, scratch_operands = 0 : i64, tpu.core_type = #tpu.core_type<tc>, window_params = [{transform_indices = @transform_0, window_bounds = array<i64: 1000, 128>}, {transform_indices = @transform_1, window_bounds = array<i64: 1000, 128>}, {transform_indices = @transform_2, window_bounds = array<i64: 1000, 1>}, {transform_indices = @transform_3, window_bounds = array<i64: 1000, 1>}, {pipeline_mode = #tpu.pipeline_mode<synchronous>, transform_indices = @transform_4, window_bounds = array<i64: 1, 64>}, {transform_indices = @transform_5, window_bounds = array<i64: 1000, 64>}]} {
    %get3A = arith.constant 0 : index
    %get3A_0 = arith.constant 0 : index
    %get3A_1 = vector.load %arg3[%get3A, %get3A_0] : memref<1000x1xf32, #tpu.memory_space<vmem>>, vector<1000x1xf32>
    %get3A_2 = arith.constant 0 : index
    %get3A_3 = arith.constant 0 : index
    %get3A_4 = vector.load %arg4[%get3A_2, %get3A_3] : memref<1000x1xf32, #tpu.memory_space<vmem>>, vector<1000x1xf32>
    %add3A = arith.addf %get3A_1, %get3A_4 : vector<1000x1xf32>
    %max3A = arith.constant 1.000000e+00 : f32
    %max3A_5 = vector.broadcast %max3A : f32 to vector<1000x1xf32>
    %max3A_6 = arith.maximumf %add3A, %max3A_5 : vector<1000x1xf32>
    %get3A_7 = arith.constant 0 : index
    %get3A_8 = arith.constant 0 : index
    %get3A_9 = vector.load %arg1[%get3A_7, %get3A_8] : memref<1000x128xf32, #tpu.memory_space<vmem>>, vector<1000x64xf32>
    %get3A_10 = arith.constant 0 : index
    %get3A_11 = arith.constant 0 : index
    %get3A_12 = vector.load %arg2[%get3A_10, %get3A_11] : memref<1000x128xf32, #tpu.memory_space<vmem>>, vector<1000x64xf32>
    %add3A_13 = arith.addf %get3A_9, %get3A_12 : vector<1000x64xf32>
    %div3A = vector.broadcast %max3A_6 : vector<1000x1xf32> to vector<1000x64xf32>
    %div3A_14 = arith.divf %add3A_13, %div3A : vector<1000x64xf32>
    %get3A_15 = arith.constant 0 : index
    %get3A_16 = arith.constant 0 : index
    %get3A_17 = vector.load %arg5[%get3A_15, %get3A_16] : memref<1x64xf32, #tpu.memory_space<vmem>>, vector<1x64xf32>
    %add3A_18 = vector.broadcast %get3A_17 : vector<1x64xf32> to vector<1000x64xf32>
    %add3A_19 = arith.addf %div3A_14, %add3A_18 : vector<1000x64xf32>
    %swap3A = arith.constant 0 : index
    %swap3A_20 = arith.constant 0 : index
    %swap3A_21 = vector.load %arg6[%swap3A, %swap3A_20] : memref<1000x64xf32, #tpu.memory_space<vmem>>, vector<1000x64xf32>
    tpu.vector_store %arg6[%swap3A, %swap3A_20], %add3A_19 {strides = array<i32>} : memref<1000x64xf32, #tpu.memory_space<vmem>>, vector<1000x64xf32>,
    return
  }
  func.func @transform_0(%arg0: i32) -> (i32, i32) {
    %c0_i32 = arith.constant 0 : i32
    %c0_i32_0 = arith.constant 0 : i32
    return %arg0, %c0_i32 : i32, i32
  }
  func.func @transform_1(%arg0: i32) -> (i32, i32) {
    %add3A = arith.constant 10 : i32
    %add3A_0 = arith.addi %arg0, %add3A : i32
    %c0_i32 = arith.constant 0 : i32
    %c0_i32_1 = arith.constant 0 : i32
    return %add3A_0, %c0_i32 : i32, i32
  }
  func.func @transform_2(%arg0: i32) -> (i32, i32) {
    %c0_i32 = arith.constant 0 : i32
    %c0_i32_0 = arith.constant 0 : i32
    return %arg0, %c0_i32 : i32, i32
  }
  func.func @transform_3(%arg0: i32) -> (i32, i32) {
    %add3A = arith.constant 10 : i32
    %add3A_0 = arith.addi %arg0, %add3A : i32
    %c0_i32 = arith.constant 0 : i32
    %c0_i32_1 = arith.constant 0 : i32
    return %add3A_0, %c0_i32 : i32, i32
  }
  func.func @transform_4(%arg0: i32) -> (i32, i32) {
    %c0_i32 = arith.constant 0 : i32
    %c0_i32_0 = arith.constant 0 : i32
    %c0_i32_1 = arith.constant 0 : i32
    return %c0_i32, %c0_i32_0 : i32, i32
  }
  func.func @transform_5(%arg0: i32) -> (i32, i32) {
    %c0_i32 = arith.constant 0 : i32
    %c0_i32_0 = arith.constant 0 : i32
    return %arg0, %c0_i32 : i32, i32
  }
}

</mosaic_0001>

<sc_bundles>
// kernel: kernel.6.cloned.1.call-start
scs
__scs_entry_jumppad:
0x0: {  	(pc) =	sbr.rel $0x88, $3  }
0x1: {  	(tag) =	ssettag $0x0;
	lr =	simm.s32 $0x1  }
0x2: {  	[smem:$0x3F9B] =	sst lr;
	_ =	strace $0xD0000000  }
0x3: {  	_ = 	snop  }
0x4: {  	_ = 	snop  }
0x5: {  	_ = 	snop  }
0x6: {  	_ = 	snop  }
0x7: {  	_ = 	snop  }
__scs_overlays_trampoline_lowered:
0x8: {  	[smem:$0x3FAA] =	sst s0  }
0x9: {  	[smem:$0x3FAB] =	sst s1  }
0xa: {  	[smem:$0x3FAC] =	sst s2  }
0xb: {  	[smem:$0x3FAD] =	sst s3  }
0xc: {  	[smem:$0x3FAE] =	sst s4  }
0xd: {  	[smem:$0x3FAF] =	sst s5  }
0xe: {  	[smem:$0x3FB0] =	sst s6  }
0xf: {  	[smem:$0x3FB1] =	sst s7  }
0x10: {  	[smem:$0x3FB2] =	sst s8  }
0x11: {  	[smem:$0x3FB3] =	sst s9;
	s0 =	simm.s32 @!p0 $0x0  }
0x12: {  	s1 =	sld [smem:$0x3F99];
	s0 =	simm.s32 @p0 $0x1  }
0x13: {  	[smem:$0x3FB4] =	sst s0;
	s0 =	simm.s32 @!p1 $0x0  }
0x14: {  	s2 =	sld [smem:$0x3F98];
	s0 =	simm.s32 @p1 $0x1  }
0x15: {  	[smem:$0x3FB5] =	sst s0;
	s0 =	simm.s32 @!p2 $0x0  }
0x16: {  	s3 =	sld [smem:$0x3FDB];
	s0 =	simm.s32 @p2 $0x1  }
0x17: {  	s4 =	simm.s32 $0x1BF5;
	[smem:$0x3FB7] =	sst s0  }
0x18: {  	s0 =	sld [smem:$0x3F9A];
	_ =	swait.ge [sflag:s4], $0x0  }
0x19: {  	s7 =	sld [smem:$0x3F9B]  }
0x1a: {  	s8 =	sadd.s32 $0xFFFFE003, lr  }
0x1b: {  	s9 =	sadd.s32 $0xFFFFFEF7, lr;
	s5 =	simm.s32 $0xFFFFFFFF;
	p2 =	slt.u32 s8, $0xFFFFF086  }
0x1c: {  	p1 =	slt.u32 s9, $0xF7A;
	s5 =	simm.s32 @!p2 $0x0  }
0x1d: {  	s5 =	simm.s32 @p1 $0x1;
	p0 =	seq.s32 s7, s2  }
0x1e: {  	s7 =	smul.u32 @!p0 $0xF7A, s2;
	p2 =	seq.s32 @!p0 s5, $0x0  }
0x1f: {  	s9 =	smul.u32 $0xF7A, s1;
	s8 =	simm.s32 @!p0 $0x1BF5;
	p2 =	por !p2, p0  }
0x20: {  	[sflag:s8] =	ssyncset.s32 @!p0 $0xFFFFF086;
	s6 =	sadd.s32 @!p0 s3, s7;
	s7 =	simm.s32 @!p0 $0x108  }
0x21: {  	s3 =	sadd.s32 s3, s9;
	s6 =	sadd.s32 @!p0 $0x88, s6;
	s7 =	simm.s32 @p2 $0x1082  }
0x22: {  	[simem:s7], [sflag:s8] =	dma.local @!p0 [hbm:s6], $0xF7A  }
0x23: {  	s9 =	sor.u32 $0xD0000000, s2;
	s6 =	simm.s32 $0x108;
	_ =	swait.ge @!p0 [sflag:s8], $0x0  }
0x24: {  	s3 =	sadd.s32 $0x88, s3;
	s6 =	simm.s32 @!p1 $0x1082;
	[sflag:s4] =	ssyncset.s32 $0xFFFFF086  }
0x25: {  	[simem:s6], [sflag:s4] =	dma.local [hbm:s3], $0xF7A  }
0x26: {  	[smem:$0x3F9B] =	sst s1;
	(tag) =	ssettag s2;
	_ =	strace s9  }
0x27: {  	s1 =	sld [smem:$0x3FAB]  }
0x28: {  	s2 =	sld [smem:$0x3FAC]  }
0x29: {  	s4 =	sld [smem:$0x3FAE]  }
0x2a: {  	p0 =	seq.s32 s5, $0x0;
	s5 =	sld [smem:$0x3FAF]  }
0x2b: {  	s6 =	sld [smem:$0x3FB0]  }
0x2c: {  	s7 =	sld [smem:$0x3FB1]  }
0x2d: {  	s3 =	simm.s32 $0x108;
	s8 =	sld [smem:$0x3FB2]  }
0x2e: {  	s3 =	simm.s32 @!p0 $0x1082;
	s9 =	sld [smem:$0x3FB3]  }
0x2f: {  	lr =	sadd.s32 s0, s3;
	s0 =	sld [smem:$0x3FAA]  }
0x30: {  	s3 =	sld [smem:$0x3FAD]  }
0x31: {  	[smem:$0x3FB6] =	sst s10  }
0x32: {  	s10 =	sld [smem:$0x3FB4];
	_ =	sdelay $0x3  }
0x33: {  	p0 =	seq.s32 s10, $0x1;
	s10 =	sld [smem:$0x3FB6];
	_ =	sdelay $0x3  }
0x34: {  	[smem:$0x3FB6] =	sst s10  }
0x35: {  	s10 =	sld [smem:$0x3FB5];
	_ =	sdelay $0x3  }
0x36: {  	p1 =	seq.s32 s10, $0x1;
	s10 =	sld [smem:$0x3FB6];
	_ =	sdelay $0x3  }
0x37: {  	[smem:$0x3FB6] =	sst s10  }
0x38: {  	s10 =	sld [smem:$0x3FB7]  }
0x39: {  	_ = 	snop;
	(pc) =	sbr.ind lr, $3  }
0x3a: {  	_ = 	snop  }
0x3b: {  	_ = 	snop  }
0x3c: {  	p2 =	seq.s32 s10, $0x1;
	s10 =	sld [smem:$0x3FB6]  }
0x3d: {  	_ =	shalt  }
0x3e: {  	_ =	shalt  }
0x3f: {  	_ =	shalt  }
0x40: {  	_ =	shalt  }
0x41: {  	_ =	shalt  }
0x42: {  	_ =	shalt  }
0x43: {  	_ =	shalt  }
0x44: {  	_ =	shalt  }
0x45: {  	_ =	shalt  }
0x46: {  	_ =	shalt  }
0x47: {  	_ =	shalt  }
0x48: {  	_ =	shalt  }
0x49: {  	_ =	shalt  }
0x4a: {  	_ =	shalt  }
0x4b: {  	_ =	shalt  }
0x4c: {  	_ =	shalt  }
0x4d: {  	_ =	shalt  }
0x4e: {  	_ =	shalt  }
0x4f: {  	_ =	shalt  }
0x50: {  	_ =	shalt  }
0x51: {  	_ =	shalt  }
0x52: {  	_ =	shalt  }
0x53: {  	_ =	shalt  }
0x54: {  	_ =	shalt  }
0x55: {  	_ =	shalt  }
0x56: {  	_ =	shalt  }
0x57: {  	_ =	shalt  }
0x58: {  	_ =	shalt  }
0x59: {  	_ =	shalt  }
0x5a: {  	_ =	shalt  }
0x5b: {  	_ =	shalt  }
0x5c: {  	_ =	shalt  }
0x5d: {  	_ =	shalt  }
0x5e: {  	_ =	shalt  }
0x5f: {  	_ =	shalt  }
0x60: {  	_ =	shalt  }
0x61: {  	_ =	shalt  }
0x62: {  	_ =	shalt  }
0x63: {  	_ =	shalt  }
0x64: {  	_ =	shalt  }
0x65: {  	_ =	shalt  }
0x66: {  	_ =	shalt  }
0x67: {  	_ =	shalt  }
0x68: {  	_ =	shalt  }
0x69: {  	_ =	shalt  }
0x6a: {  	_ =	shalt  }
0x6b: {  	_ =	shalt  }
0x6c: {  	_ =	shalt  }
0x6d: {  	_ =	shalt  }
0x6e: {  	_ =	shalt  }
0x6f: {  	_ =	shalt  }
0x70: {  	_ =	shalt  }
0x71: {  	_ =	shalt  }
0x72: {  	_ =	shalt  }
0x73: {  	_ =	shalt  }
0x74: {  	_ =	shalt  }
0x75: {  	_ =	shalt  }
0x76: {  	_ =	shalt  }
0x77: {  	_ =	shalt  }
0x78: {  	_ =	shalt  }
0x79: {  	_ =	shalt  }
0x7a: {  	_ =	shalt  }
0x7b: {  	_ =	shalt  }
0x7c: {  	_ =	shalt  }
0x7d: {  	_ =	shalt  }
0x7e: {  	_ =	shalt  }
0x7f: {  	_ =	shalt  }
0x80: {  	_ =	shalt  }
0x81: {  	_ =	shalt  }
0x82: {  	_ =	shalt  }
0x83: {  	_ =	shalt  }
0x84: {  	_ =	shalt  }
0x85: {  	_ =	shalt  }
0x86: {  	_ =	shalt  }
0x87: {  	_ =	shalt  }
.Lfunc_end0:
.L_simem_size_0:
called_computation_lowered:
.L_overlay_start_0:
0x88: {  	s2 =	sld [smem:$0x3FD9]  }
0x89: {  	s3 =	sld [smem:$0x3FFE];
	_ =	sdelay $0x1  }
0x8a: {  	s1 =	srdreg.scid  }
0x8b: {  	s0 =	sand.u32 $0x1, s1  }
0x8c: {  	s17 =	sshll.u32 s0, $0xA;
	s2 =	sadd.s32 s3, s2  }
0x8d: {  	s2 =	sadd.s32 s2, s17  }
0x8e: {  	[smem:$0x3FC2] =	sst s2  }
0x8f: {  	_ = 	snop  }
0x90: {  	s2 =	sld [smem:$0x3FC9]  }
0x91: {  	s18 =	sld [smem:$0x3FD0];
	(tm) =	ssettm $0x1  }
0x92: {  	s4 =	sld [smem:$0x3FFB];
	_ =	sdelay $0x3  }
0x93: {  	_ =	strace s4  }
0x94: {  	s4 =	sld [smem:$0x3FFC];
	_ =	sdelay $0x3  }
0x95: {  	_ =	strace s4  }
0x96: {  	s4 =	sld [smem:$0x3FFD];
	_ =	sdelay $0x3  }
0x97: {  	_ =	strace s4  }
0x98: {  	_ =	strace $0x8FFFFFFF  }
0x99: {  	s19 =	sld [smem:$0x3FDB];
	_ =	sdelay $0x1  }
0x9a: {  	s5 =	simm.s32 $_scs_section_size  }
0x9b: {  	s6 =	simm.s32 $_size__tile_overlayer_lowered;
	s7 =	simm.s32 $_tile_overlayer_lowered  }
0x9c: {  	s22 =	simm.s32 $0x1BFF;
	s21 =	sshll.u32 s7, $0x1;
	s4 =	sadd.s32 s5, s19  }
0x9d: {  	s8 =	simm.s32 $0x0;
	s20 =	sshll.u32 s6, $0x1;
	s6 =	sadd.s32 s21, s4  }
0x9e: {  	[timem:s8], [sflag:s22] =	dma.local [hbm:s6], s20  }
0x9f: {  	_ =	swait.ge [sflag:s22], s20  }
0xa0: {  	s5 =	ssub.s32 $0x0, s20;
	[sflag:s22] =	ssyncset.done $0x0  }
0xa1: {  	[sflag:s22] =	ssyncadd.s32 s5;
	_ =	sdelay $0x1  }
0xa2: {  	s23 =	simm.s32 $0x1B8B  }
0xa3: {  	_ =	swait.ge [sflag:s23], $0x1  }
0xa4: {  	[sflag:s23] =	ssyncset.done $0x0  }
0xa5: {  	s25 =	simm.s32 $0x1B8E;
	s24 =	sld [smem:$0x3FFE];
	[sflag:s23] =	ssyncadd.s32 $0xFFFFFFFF  }
0xa6: {  	s26 =	simm.s32 $execute0_lowered;
	[smem:$0x3FD2] =	sst s25  }
0xa7: {  	s6 =	sshll.u32 s26, $0x1;
	_ =	strace $0x80000046;
	[dreg:$0x1] =	wrdreg $0xFFFFFFFF  }
0xa8: {  	s28 =	simm.s32 $_size_execute0_lowered;
	s4 =	sadd.s32 s4, s6;
	[dreg:$0x0] =	wrdreg $0x0  }
0xa9: {  	s6 =	sshll.u32 s28, $0x1;
	[dreg:$0x2] =	wrdreg s4  }
0xaa: {  	[dreg:$0x3] =	wrdreg s6  }
0xab: {  	[dreg:$0x4] =	wrdreg $0xC0  }
0xac: {  	_ =	task [dreg:s8], $0x5FFFF  }
0xad: {  	[dreg:$0x1] =	wrdreg $0xFFFFFFFF  }
0xae: {  	[dreg:$0x0] =	wrdreg $0x60  }
0xaf: {  	[dreg:$0x2] =	wrdreg s2  }
0xb0: {  	[dreg:$0x3] =	wrdreg s24  }
0xb1: {  	[dreg:$0x4] =	wrdreg s18  }
0xb2: {  	[dreg:$0x5] =	wrdreg $0xB7800  }
0xb3: {  	[dreg:$0x6] =	wrdreg $0x1F4800  }
0xb4: {  	[dreg:$0x7] =	wrdreg $0x9  }
0xb5: {  	_ =	task.clear_ibuf [dreg:s8], $0x8FFFF;
	_ =	strace $0x90000046  }
0xb6: {  	s29 =	simm.s32 $0x9;
	_ =	strace $0x80000048  }
0xb7: {  	_ =	swait.ge [sflag:s29], $0x1  }
0xb8: {  	[sflag:s29] =	ssyncadd.s32 $0xFFFFFFFF  }
0xb9: {  	_ =	strace $0x90000048  }
0xba: {  	_ =	sfence  }
0xbb: {  	s30 =	sld [smem:$0x0];
	_ =	sdelay $0x2  }
0xbc: {  	s31 =	sshll.u32 s1, $0xD;
	s1 =	sshrl.u32 s1, $0x2  }
0xbd: {  	s3 =	sand.u32 $0x4000, s31;
	s1 =	sadd.s32 s1, s30  }
0xbe: {  	s0 =	sor.u32 s3, s0;
	s1 =	sshll.u32 s1, $0x11  }
0xbf: {  	s0 =	sor.u32 s1, s0  }
0xc0: {  	s0 =	sadd.s32 $0x8F2B, s0  }
0xc1: {  	[sflag:s0] =	ssyncadd.remote.s32 $0x1  }
0xc2: {  	_ =	sfence.sel $0xFFFF  }
0xc3: {  	[dreg:$0x0] =	wrdreg $0xFFFFFFFF;
	(pc) =	sbr.abs _section_cstart, $3  }
0xc4: {  	[dreg:$0x1] =	wrdreg $0xFFFFFFFF  }
0xc5: {  	_ =	task.clear_ibuf [dreg:s8], $0x2FFFF;
	_ =	strace $0x9FFFFFFF  }
0xc6: {  	(tm) =	ssettm $0x7FFFFFFF  }
0xc7: {  	_ =	shalt  }
tec
execute0_lowered:
.L_overlay_start_1:
0x0: {  	(tag) =	ssettag $0x1  }
0x1: {  	s0 =	rddreg [dreg:$0x0]  }
0x2: {  	s1 =	rddreg [dreg:$0x1]  }
0x3: {  	s2 =	srdreg.scid;
	s6 =	rddreg [dreg:$0x2]  }
0x4: {  	s26 =	stileid.u32;
	s3 =	rddreg [dreg:$0x3];
	s5 =	simm.s32 $0x0  }
0x5: {  	s28 =	simm.s32 $0x1;
	s29 =	simm.s32 $0x2;
	s10 =	smul.u32 $0x3E8, s26  }
0x6: {  	s30 =	simm.s32 $0x3;
	s31 =	simm.s32 $0x4;
	s14 =	smul.u32 $0x4E000, s26  }
0x7: {  	s2 =	sand.u32 $0x1, s2;
	s4 =	sshll.u32 s26, $0x1;
	s19 =	smul.u32 $0x270, s26  }
0x8: {  	[smem:$0x7FF] =	sst s5;
	s17 =	sadd.s32 $0xBA00, s1;
	s25 =	smul.u32 $0xFA0, s26  }
0x9: {  	s16 =	sadd.s32 $0x138000, s3;
	p0 =	sne.s32 s26, $0x0;
	p1 =	sgt.u32 s26, $0x9  }
0xa: {  	s26 =	simm.s32 $0x8F80;
	s7 =	sor.u32 s2, s4;
	s9 =	smul.u32 $0x2710, s2  }
0xb: {  	s4 =	rddreg [dreg:$0x4];
	s12 =	ssub.s32 $0x2, s2;
	s2 =	smul.u32 $0x138800, s2  }
0xc: {  	_ =	strace $0x80000047;
	s8 =	smul.u32 $0x4E2, s7;
	s13 =	sshrl.u32 s12, $0x1  }
0xd: {  	s7 =	sshll.u32 s7, $0xB;
	s18 =	sshrl.u32 s14, $0x2;
	s11 =	sadd.s32 s10, s9  }
0xe: {  	s13 =	ssub.s32 s12, s13;
	s6 =	sadd.s32 s6, s7;
	s2 =	sshrl.u32 s2, $0x3  }
0xf: {  	s7 =	sshrl.u32 s25, $0x2;
	s25 =	simm.s32 $0x6;
	s8 =	sadd.s32 s8, s1  }
0x10: {  	s11 =	sshrl.u32 s11, $0x3;
	[dreg:$0x7] =	wrdreg s6;
	s6 =	sadd.s32 s19, s9  }
0x11: {  	s2 =	sadd.s32 s17, s2;
	s7 =	sadd.s32 s7, s4;
	s9 =	simm.s32 $0x0  }
0x12: {  	s1 =	sadd.s32 s11, s1;
	s8 =	sadd.s32 $0x1200, s8;
	[dreg:$0xd] =	wrdreg s7  }
0x13: {  	s6 =	sshll.u32 s6, $0x4;
	[dreg:$0x6] =	wrdreg s8;
	s8 =	sadd.s32 s18, s3  }
0x14: {  	s19 =	sadd.s32 $0x27000, s2;
	s2 =	simm.s32 $0x50;
	s20 =	sadd.s32 $0x2800, s8  }
0x15: {  	s7 =	simm.s32 $0x5;
	s21 =	sadd.s32 $0x5000, s8;
	[dreg:$0x8] =	wrdreg s20  }
0x16: {  	s18 =	sadd.s32 s17, s6;
	s22 =	sadd.s32 $0x7800, s8;
	[dreg:$0x9] =	wrdreg s21  }
0x17: {  	s17 =	simm.s32 $0x2800;
	s23 =	sadd.s32 $0xA000, s8;
	[dreg:$0xa] =	wrdreg s22  }
0x18: {  	s6 =	simm.s32 $0x6580;
	s24 =	sadd.s32 $0xC800, s8;
	[dreg:$0xb] =	wrdreg s23  }
0x19: {  	s14 =	sadd.s32 $0xF000, s8;
	s15 =	sadd.s32 $0x11800, s8;
	[dreg:$0xc] =	wrdreg s24  }
0x1a: {  	s20 =	sadd.s32 s10, s4;
	s21 =	sadd.s32 $0xB000, s1;
	s22 =	smax.u32 s13, $0x1  }
0x1b: {  	v0 =	vimm.f32 $0.0e+00;
	v1 =	vimm.f32 $1.000000000e+00;
	s23 =	simm.s32 $0x2780;
	s24 =	simm.s32 $0x6780;
	s1 =	simm.s32 $0x1F000  }
.LBB2_1:
0x1c: {  	s10 =	rddreg [dreg:$0x6]  }
0x1d: {  	[tilespmem:s5], [sflag:$0x1] =	stream.linear.gather [hbm4b:s10+s5], $0x2710, $0x38;
	[tilespmem:$0x1F6F8] =	vst v63  }
0x1e: {  	s13 =	rddreg [dreg:$0x7];
	s11 =	simm.s32 $0x200;
	s10 =	simm.s32 $0x0  }
0x1f: {  	[tilespmem:s23], [sflag:$0x2] =	stream.linear.gather [hbm4b:s13+s5], $0x3E80, $0x38;
	[tilespmem:$0x1F6F8] =	vst v63  }
.LBB2_2:
0x20: {  	p2 =	sne.s32 s11, $0x9E00;
	[tilespmem:s10+$0x67F0] =	vst v0  }
0x21: {  	[tilespmem:s10+$0x6780] =	vst v0  }
0x22: {  	[tilespmem:s10+$0x6790] =	vst v0  }
.Ltmp0:
0x23: {  	[tilespmem:s10+$0x67A0] =	vst v0;
	(pc) =	sbr.rel @p2 .LBB2_2-.Ltmp0, $4  }
0x24: {  	[tilespmem:s10+$0x67B0] =	vst v0  }
0x25: {  	[tilespmem:s10+$0x67C0] =	vst v0  }
0x26: {  	[tilespmem:s10+$0x67D0] =	vst v0  }
0x27: {  	[tilespmem:s10+$0x67E0] =	vst v0;
	s10 =	sshra.s32 s11, $0x2;
	s11 =	sadd.s32 $0x200, s11  }
0x28: {  	[tilespmem:s10+$0x67F0] =	vst v0  }
0x29: {  	[tilespmem:s10+$0x6780] =	vst v0  }
0x2a: {  	[tilespmem:s10+$0x6790] =	vst v0  }
0x2b: {  	[tilespmem:s10+$0x67A0] =	vst v0  }
0x2c: {  	[tilespmem:s10+$0x67B0] =	vst v0  }
0x2d: {  	[tilespmem:s10+$0x67C0] =	vst v0  }
0x2e: {  	[tilespmem:s10+$0x67D0] =	vst v0  }
0x2f: {  	[tilespmem:s10+$0x67E0] =	vst v0  }
0x30: {  	[tilespmem:$0x1F000] =	vst v1  }
0x31: {  	[tilespmem:$0x1F010] =	vst v1  }
0x32: {  	[tilespmem:$0x1F020] =	vst v1  }
0x33: {  	[tilespmem:$0x1F030] =	vst v1  }
0x34: {  	s10 =	simm.s32 $0x40;
	s11 =	simm.s32 $0x0;
	[tilespmem:$0x1F040] =	vst v1  }
.LBB2_4:
0x35: {  	p2 =	sne.s32 s10, $0xF80;
	[tilespmem:s11+$0x1F080] =	vst v0;
	s11 =	smov.u32 s10;
	s10 =	sadd.s32 $0x40, s10  }
.Ltmp1:
0x36: {  	(pc) =	sbr.rel @p2 .LBB2_4-.Ltmp1, $2  }
0x37: {  	_ =	sdelay $0x2  }
0x38: {  	s11 =	sshra.s32 s11, $0x2  }
0x39: {  	[tilespmem:s11+$0x1F080] =	vst v0  }
0x3a: {  	[spmem:s8] =	stream.linear.scatter [tilespmem:s24], [sflag:$0x3], $0x2800, $0x38;
	[tilespmem:$0x1F6F8] =	vst v63  }
0x3b: {  	s10 =	rddreg [dreg:$0x8]  }
0x3c: {  	[spmem:s10] =	stream.linear.scatter [tilespmem:s24], [sflag:$0x3], $0x2800, $0x38;
	[tilespmem:$0x1F6F8] =	vst v63  }
0x3d: {  	s13 =	rddreg [dreg:$0x9]  }
0x3e: {  	[spmem:s13] =	stream.linear.scatter [tilespmem:s24], [sflag:$0x3], $0x2800, $0x38;
	[tilespmem:$0x1F6F8] =	vst v63  }
0x3f: {  	s11 =	rddreg [dreg:$0xa]  }
0x40: {  	[spmem:s11] =	stream.linear.scatter [tilespmem:s24], [sflag:$0x3], $0x2800, $0x38;
	[tilespmem:$0x1F6F8] =	vst v63  }
0x41: {  	s12 =	rddreg [dreg:$0xb]  }
0x42: {  	[spmem:s12] =	stream.linear.scatter [tilespmem:s24], [sflag:$0x3], $0x2800, $0x38;
	[tilespmem:$0x1F6F8] =	vst v63  }
0x43: {  	s13 =	rddreg [dreg:$0xc]  }
0x44: {  	[spmem:s13] =	stream.linear.scatter [tilespmem:s24], [sflag:$0x3], $0x2800, $0x38;
	[tilespmem:$0x1F6F8] =	vst v63  }
.Ltmp2:
0x45: {  	_ = 	snop;
	(pc) =	sbr.rel @!p0 .LBB2_6-.Ltmp2, $4  }
0x46: {  	_ = 	snop  }
0x47: {  	[spmem:s14] =	stream.linear.scatter [tilespmem:s24], [sflag:$0x3], $0x2800, $0x38;
	[tilespmem:$0x1F6F8] =	vst v63  }
0x48: {  	_ = 	snop  }
0x49: {  	[spmem:s15] =	stream.linear.scatter [tilespmem:s24], [sflag:$0x4], $0x2000, $0x38;
	[tilespmem:$0x1F6F8] =	vst v63  }
.Ltmp3:
0x4a: {  	(pc) =	sbr.rel @p1 .LBB2_9-.Ltmp3, $4  }
.Ltmp4:
0x4b: {  	(pc) =	sbr.rel @!p1 .LBB2_8-.Ltmp4, $4  }
0x4c: {  	_ = 	snop  }
0x4d: {  	_ = 	snop  }
0x4e: {  	p2 =	por $0x0, $0x0  }
0x4f: {  	_ = 	snop  }
.LBB2_6:
0x50: {  	[spmem:s16] =	stream.linear.scatter [tilespmem:s24], [sflag:$0x6], $0x800, $0x38;
	[tilespmem:$0x1F6F8] =	vst v63  }
0x51: {  	_ =	swait.ge [sflag:s25], $0x800  }
0x52: {  	[sflag:s25] =	ssyncset.done $0x0  }
0x53: {  	[sflag:s25] =	ssyncadd.s32 $0xFFFFF800  }
.LBB2_8:
0x54: {  	s10 =	rddreg [dreg:$0xd];
	s11 =	simm.s32 $0x1F080  }
0x55: {  	[spmem:s10] =	stream.linear.scatter [tilespmem:s11], [sflag:$0x6], $0x3E8, $0x38;
	[tilespmem:$0x1F6F8] =	vst v63  }
0x56: {  	_ =	swait.ge [sflag:s25], $0x3E8  }
0x57: {  	[sflag:s25] =	ssyncset.done $0x0  }
0x58: {  	p2 =	por $0x1, $0x1;
	[sflag:s25] =	ssyncadd.s32 $0xFFFFFC18  }
.LBB2_9:
0x59: {  	_ =	swait.ge [sflag:s28], $0x2710  }
0x5a: {  	[sflag:s28] =	ssyncset.done $0x0  }
0x5b: {  	[sflag:s28] =	ssyncadd.s32 $0xFFFFD8F0  }
0x5c: {  	_ =	swait.ge [sflag:s29], $0x3E80  }
0x5d: {  	[sflag:s29] =	ssyncset.done $0x0  }
0x5e: {  	[sflag:s29] =	ssyncadd.s32 $0xFFFFC180  }
0x5f: {  	_ =	swait.ge [sflag:s30], $0x2800  }
0x60: {  	[sflag:s30] =	ssyncset.done $0x0  }
0x61: {  	[sflag:s30] =	ssyncadd.s32 $0xFFFFD800  }
0x62: {  	_ =	swait.ge [sflag:s30], $0x2800  }
0x63: {  	[sflag:s30] =	ssyncset.done $0x0  }
0x64: {  	[sflag:s30] =	ssyncadd.s32 $0xFFFFD800  }
0x65: {  	_ =	swait.ge [sflag:s30], $0x2800  }
0x66: {  	[sflag:s30] =	ssyncset.done $0x0  }
0x67: {  	[sflag:s30] =	ssyncadd.s32 $0xFFFFD800  }
0x68: {  	_ =	swait.ge [sflag:s30], $0x2800  }
0x69: {  	[sflag:s30] =	ssyncset.done $0x0  }
0x6a: {  	[sflag:s30] =	ssyncadd.s32 $0xFFFFD800  }
0x6b: {  	_ =	swait.ge [sflag:s30], $0x2800  }
0x6c: {  	[sflag:s30] =	ssyncset.done $0x0  }
0x6d: {  	[sflag:s30] =	ssyncadd.s32 $0xFFFFD800  }
0x6e: {  	_ =	swait.ge [sflag:s30], $0x2800  }
0x6f: {  	[sflag:s30] =	ssyncset.done $0x0  }
0x70: {  	[sflag:s30] =	ssyncadd.s32 $0xFFFFD800  }
0x71: {  	_ =	swait.ge [sflag:s30], $0x2800  }
0x72: {  	[sflag:s30] =	ssyncset.done $0x0  }
0x73: {  	[sflag:s30] =	ssyncadd.s32 $0xFFFFD800  }
0x74: {  	_ =	swait.ge [sflag:s31], $0x2000  }
0x75: {  	[sflag:s31] =	ssyncset.done $0x0  }
0x76: {  	[sflag:s31] =	ssyncadd.s32 $0xFFFFE000  }
0x77: {  	[bflag:$0x0] =	sbarrier.arrive $0xFFFF  }
0x78: {  	[tilespmem:s24], [sflag:$0x1] =	stream.indirect.gather [hbm4b:s0+s2], $0x80, s5, s2, $0xb8;
	[tilespmem:$0x1F6F8] =	vst v63  }
0x79: {  	_ = 	snop  }
0x7a: {  	[tilespmem:s26], [sflag:$0x2] =	stream.indirect.gather [hbm4b:s0+s2], $0x80, s2, s2, $0xb8;
	[tilespmem:$0x1F6F8] =	vst v63  }
0x7b: {  	_ =	swait.ge [sflag:s28], $0x2800  }
0x7c: {  	[sflag:s28] =	ssyncset.done $0x0  }
0x7d: {  	[sflag:s28] =	ssyncadd.s32 $0xFFFFD800  }
0x7e: {  	[spmem:s3] =	stream.indirect.scatter.add.f32 [tilespmem:s24], [sflag:$0x3], $0x80, s23, s2, $0xb8;
	[tilespmem:$0x1F6F8] =	vst v63  }
0x7f: {  	_ = 	snop  }
0x80: {  	[spmem:s4] =	stream.indirect.scatter.add.f32 [tilespmem:s1], [sflag:$0x5], $0x1, s23, s2, $0xb8;
	[tilespmem:$0x1F6F8] =	vst v63  }
0x81: {  	_ =	swait.ge [sflag:s29], $0x2800  }
0x82: {  	[sflag:s29] =	ssyncset.done $0x0  }
0x83: {  	[sflag:s29] =	ssyncadd.s32 $0xFFFFD800  }
0x84: {  	[spmem:s3] =	stream.indirect.scatter.add.f32 [tilespmem:s26], [sflag:$0x4], $0x80, s17, s2, $0xb8;
	[tilespmem:$0x1F6F8] =	vst v63  }
0x85: {  	_ = 	snop  }
0x86: {  	[spmem:s4] =	stream.indirect.scatter.add.f32 [tilespmem:s1], [sflag:$0x5], $0x1, s17, s2, $0xb8;
	[tilespmem:$0x1F6F8] =	vst v63  }
0x87: {  	_ =	swait.ge [sflag:s30], $0x2800  }
0x88: {  	[sflag:s30] =	ssyncset.done $0x0  }
0x89: {  	s10 =	simm.s32 $0xA0;
	[sflag:s30] =	ssyncadd.s32 $0xFFFFD800  }
0x8a: {  	[tilespmem:s24], [sflag:$0x1] =	stream.indirect.gather [hbm4b:s0+s2], $0x80, s10, s2, $0xb8;
	[tilespmem:$0x1F6F8] =	vst v63  }
0x8b: {  	_ =	swait.ge [sflag:s31], $0x2800  }
0x8c: {  	[sflag:s31] =	ssyncset.done $0x0  }
0x8d: {  	s12 =	simm.s32 $0xF0;
	[sflag:s31] =	ssyncadd.s32 $0xFFFFD800  }
0x8e: {  	[tilespmem:s26], [sflag:$0x2] =	stream.indirect.gather [hbm4b:s0+s2], $0x80, s12, s2, $0xb8;
	[tilespmem:$0x1F6F8] =	vst v63  }
0x8f: {  	_ =	swait.ge [sflag:s28], $0x2800  }
0x90: {  	[sflag:s28] =	ssyncset.done $0x0  }
0x91: {  	s13 =	simm.s32 $0x2880;
	[sflag:s28] =	ssyncadd.s32 $0xFFFFD800  }
0x92: {  	[spmem:s3] =	stream.indirect.scatter.add.f32 [tilespmem:s24], [sflag:$0x3], $0x80, s13, s2, $0xb8;
	[tilespmem:$0x1F6F8] =	vst v63  }
0x93: {  	_ = 	snop  }
0x94: {  	[spmem:s4] =	stream.indirect.scatter.add.f32 [tilespmem:s1], [sflag:$0x5], $0x1, s13, s2, $0xb8;
	[tilespmem:$0x1F6F8] =	vst v63  }
0x95: {  	_ =	swait.ge [sflag:s29], $0x2800  }
0x96: {  	s11 =	simm.s32 $0x140;
	[sflag:s29] =	ssyncset.done $0x0  }
0x97: {  	s10 =	simm.s32 $0xFFFF1000;
	s12 =	simm.s32 $0x2900;
	[sflag:s29] =	ssyncadd.s32 $0xFFFFD800  }
0x98: {  	[spmem:s3] =	stream.indirect.scatter.add.f32 [tilespmem:s26], [sflag:$0x4], $0x80, s12, s2, $0xb8;
	[tilespmem:$0x1F6F8] =	vst v63  }
.LBB2_10:
0x99: {  	[spmem:s4] =	stream.indirect.scatter.add.f32 [tilespmem:s1], [sflag:$0x5], $0x1, s12, s2, $0xb8;
	[tilespmem:$0x1F6F8] =	vst v63  }
0x9a: {  	s12 =	smov.u32 s10  }
0x9b: {  	p3 =	sne.s32 s10, $0xFFFFFC00;
	s10 =	sadd.s32 $0x400, s10;
	_ =	swait.ge [sflag:s30], $0x2800  }
0x9c: {  	[sflag:s30] =	ssyncset.done $0x0  }
0x9d: {  	[sflag:s30] =	ssyncadd.s32 $0xFFFFD800  }
0x9e: {  	[tilespmem:s24], [sflag:$0x1] =	stream.indirect.gather [hbm4b:s0+s2], $0x80, s11, s2, $0xb8;
	[tilespmem:$0x1F6F8] =	vst v63  }
0x9f: {  	_ =	swait.ge [sflag:s31], $0x2800  }
0xa0: {  	[sflag:s31] =	ssyncset.done $0x0  }
0xa1: {  	s13 =	sadd.s32 $0x50, s11;
	[sflag:s31] =	ssyncadd.s32 $0xFFFFD800  }
0xa2: {  	[tilespmem:s26], [sflag:$0x2] =	stream.indirect.gather [hbm4b:s0+s2], $0x80, s13, s2, $0xb8;
	[tilespmem:$0x1F6F8] =	vst v63  }
0xa3: {  	_ =	swait.ge [sflag:s28], $0x2800  }
0xa4: {  	s12 =	sshra.s32 s12, $0x2;
	[sflag:s28] =	ssyncset.done $0x0  }
0xa5: {  	s13 =	sadd.s32 $0x6580, s12;
	[sflag:s28] =	ssyncadd.s32 $0xFFFFD800  }
0xa6: {  	[spmem:s3] =	stream.indirect.scatter.add.f32 [tilespmem:s24], [sflag:$0x3], $0x80, s13, s2, $0xb8;
	[tilespmem:$0x1F6F8] =	vst v63  }
0xa7: {  	_ = 	snop  }
0xa8: {  	[spmem:s4] =	stream.indirect.scatter.add.f32 [tilespmem:s1], [sflag:$0x5], $0x1, s13, s2, $0xb8;
	[tilespmem:$0x1F6F8] =	vst v63  }
.Ltmp5:
0xa9: {  	_ =	swait.ge [sflag:s29], $0x2800;
	(pc) =	sbr.rel @p3 .LBB2_10-.Ltmp5, $4  }
0xaa: {  	[sflag:s29] =	ssyncset.done $0x0  }
0xab: {  	s12 =	sadd.s32 $0x6600, s12;
	[sflag:s29] =	ssyncadd.s32 $0xFFFFD800  }
0xac: {  	[spmem:s3] =	stream.indirect.scatter.add.f32 [tilespmem:s26], [sflag:$0x4], $0x80, s12, s2, $0xb8;
	[tilespmem:$0x1F6F8] =	vst v63  }
0xad: {  	s11 =	sadd.s32 $0xA0, s11  }
0xae: {  	[spmem:s4] =	stream.indirect.scatter.add.f32 [tilespmem:s1], [sflag:$0x5], $0x1, s12, s2, $0xb8;
	[tilespmem:$0x1F6F8] =	vst v63  }
0xaf: {  	_ =	swait.ge [sflag:s30], $0x2800  }
0xb0: {  	[sflag:s30] =	ssyncset.done $0x0  }
0xb1: {  	s10 =	simm.s32 $0x26C0;
	[sflag:s30] =	ssyncadd.s32 $0xFFFFD800  }
0xb2: {  	[tilespmem:s24], [sflag:$0x1] =	stream.indirect.gather [hbm4b:s0+s2], $0x80, s10, s2, $0xb8;
	[tilespmem:$0x1F6F8] =	vst v63  }
0xb3: {  	_ =	swait.ge [sflag:s28], $0x2800  }
0xb4: {  	[sflag:s28] =	ssyncset.done $0x0  }
0xb5: {  	[sflag:s28] =	ssyncadd.s32 $0xFFFFD800  }
0xb6: {  	[spmem:s3] =	stream.indirect.scatter.add.f32 [tilespmem:s24], [sflag:$0x3], $0x80, s6, s2, $0xb8;
	[tilespmem:$0x1F6F8] =	vst v63  }
0xb7: {  	_ = 	snop  }
0xb8: {  	[spmem:s4] =	stream.indirect.scatter.add.f32 [tilespmem:s1], [sflag:$0x5], $0x1, s6, s2, $0xb8;
	[tilespmem:$0x1F6F8] =	vst v63  }
0xb9: {  	_ =	swait.ge [sflag:s30], $0x2800  }
0xba: {  	[sflag:s30] =	ssyncset.done $0x0  }
0xbb: {  	[sflag:s30] =	ssyncadd.s32 $0xFFFFD800  }
0xbc: {  	_ =	swait.ge [sflag:s31], $0x2800  }
0xbd: {  	[sflag:s31] =	ssyncset.done $0x0  }
0xbe: {  	[sflag:s31] =	ssyncadd.s32 $0xFFFFD800  }
0xbf: {  	_ =	swait.ge [sflag:s7], $0x50  }
0xc0: {  	s10 =	simm.s32 $0x7C;
	[sflag:s7] =	ssyncset.done $0x0  }
.LBB2_12:
0xc1: {  	p3 =	sne.s32 s10, $0x1;
	s10 =	sadd.s32 $0xFFFFFFFF, s10;
	[sflag:s7] =	ssyncadd.s32 $0xFFFFFFB0  }
.Ltmp6:
0xc2: {  	(pc) =	sbr.rel @p3 .LBB2_12-.Ltmp6, $3  }
0xc3: {  	_ =	sdelay $0x1  }
0xc4: {  	_ =	swait.ge [sflag:s7], $0x50  }
0xc5: {  	[sflag:s7] =	ssyncset.done $0x0  }
0xc6: {  	s10 =	stileid.u32  }
0xc7: {  	[sflag:s7] =	ssyncadd.s32 $0xFFFFFFB0;
	s10 =	sshll.u32 s10, $0x6  }
0xc8: {  	s11 =	sshrl.u32 s8, $0x3;
	[bflag:$0x0] =	sbarrier.arrive $0xFFFF;
	s10 =	sor.u32 $0x1C06, s10  }
0xc9: {  	[hbm:s18], [sflag:s10] =	dma.local [spmem:s11], $0x2700  }
0xca: {  	_ =	swait.ge [sflag:s25], $0x2700  }
0xcb: {  	[sflag:s25] =	ssyncset.done $0x0  }
0xcc: {  	s11 =	sshrl.u32 @!p0 s16, $0x3;
	[sflag:s25] =	ssyncadd.s32 $0xFFFFD900  }
0xcd: {  	[hbm:s19], [sflag:s10] =	dma.local @!p0 [spmem:s11], $0x100  }
0xce: {  	s10 =	simm.s32 @!p0 $0x6  }
0xcf: {  	_ =	swait.ge @!p0 [sflag:s10], $0x100  }
0xd0: {  	[sflag:s10] =	ssyncset.done @!p0 $0x0  }
0xd1: {  	s11 =	simm.s32 @p2 $0x6;
	[sflag:s10] =	ssyncadd.s32 @!p0 $0xFFFFFF00;
	s10 =	simm.s32 @p2 $0x1F080  }
0xd2: {  	[tilespmem:s10], [sflag:$0x6] =	stream.linear.gather @p2 [spmem:s20], $0x3E8, $0x38;
	[tilespmem:$0x1F6F8] =	vst v63  }
0xd3: {  	s9 =	sadd.s32 $0x1, s9;
	_ =	swait.ge @p2 [sflag:s11], $0x3E8  }
0xd4: {  	p3 =	sne.s32 s9, s22;
	[sflag:s11] =	ssyncset.done @p2 $0x0  }
.Ltmp7:
0xd5: {  	s12 =	simm.s32 @p2 $0x0;
	[sflag:s11] =	ssyncadd.s32 @p2 $0xFFFFFC18;
	(pc) =	sbr.rel @p3 .LBB2_1-.Ltmp7, $4  }
0xd6: {  	[hbm4b:s21+s12] =	stream.linear.scatter @p2 [tilespmem:s10], [sflag:$0x6], $0x3E8, $0x38;
	[tilespmem:$0x1F6F8] =	vst v63  }
0xd7: {  	_ =	swait.ge @p2 [sflag:s11], $0x3E8  }
0xd8: {  	[sflag:s11] =	ssyncset.done @p2 $0x0  }
0xd9: {  	[sflag:s11] =	ssyncadd.s32 @p2 $0xFFFFFC18  }
0xda: {  	_ =	sfence.sel $0x180000  }
0xdb: {  	[bflag:$0x0] =	sbarrier.arrive $0xFFFF  }
0xdc: {  	_ =	strace $0x90000047  }
0xdd: {  	[bflag:$0x2] =	sbarrier.arrive $0xFFFF  }
0xde: {  	s0 =	rddreg [dreg:$0x5]  }
0xdf: {  	s0 =	sadd.s32 @!p0 $0x100000, s0  }
0xe0: {  	[sflag:s0] =	ssyncadd.tile.s32 @!p0 $0x1;
	_ =	shalt  }
.Lfunc_end2:
_tile_overlayer_lowered:
.L_overlay_start_2:
0xe1: {  	(tag) =	ssettag $0x2  }
0xe2: {  	s0 =	rddreg [dreg:$0x0];
	s2 =	stileid.u32  }
0xe3: {  	s1 =	rddreg [dreg:$0x1];
	p0 =	sne.s32 s2, $0x0  }
0xe4: {  	s3 =	rddreg [dreg:$0x2];
	[bflag:$0x3] =	sbarrier.arrive $0xFFFF;
	s2 =	simm.s32 @!p0 $0x1C06  }
0xe5: {  	[timem:s3], [sflag:s2] =	dma.local @!p0 [hbm:s0], s1  }
0xe6: {  	s0 =	simm.s32 @!p0 $0x6  }
0xe7: {  	_ =	swait.ge @!p0 [sflag:s0], s1  }
0xe8: {  	s1 =	ssub.s32 @!p0 $0x0, s1;
	[sflag:s0] =	ssyncset.done @!p0 $0x0  }
0xe9: {  	[sflag:s0] =	ssyncadd.s32 @!p0 s1  }
0xea: {  	[bflag:$0x3] =	sbarrier.arrive $0xFFFF  }
0xeb: {  	_ =	shalt  }

// kernel: kernel.9.cloned.1.call-start
scs
__scs_entry_jumppad:
0x0: {  	(pc) =	sbr.rel $0x88, $3  }
0x1: {  	(tag) =	ssettag $0x0;
	lr =	simm.s32 $0x1  }
0x2: {  	[smem:$0x3F9B] =	sst lr;
	_ =	strace $0xD0000000  }
0x3: {  	_ = 	snop  }
0x4: {  	_ = 	snop  }
0x5: {  	_ = 	snop  }
0x6: {  	_ = 	snop  }
0x7: {  	_ = 	snop  }
__scs_overlays_trampoline_lowered:
0x8: {  	[smem:$0x3FAA] =	sst s0  }
0x9: {  	[smem:$0x3FAB] =	sst s1  }
0xa: {  	[smem:$0x3FAC] =	sst s2  }
0xb: {  	[smem:$0x3FAD] =	sst s3  }
0xc: {  	[smem:$0x3FAE] =	sst s4  }
0xd: {  	[smem:$0x3FAF] =	sst s5  }
0xe: {  	[smem:$0x3FB0] =	sst s6  }
0xf: {  	[smem:$0x3FB1] =	sst s7  }
0x10: {  	[smem:$0x3FB2] =	sst s8  }
0x11: {  	[smem:$0x3FB3] =	sst s9;
	s0 =	simm.s32 @!p0 $0x0  }
0x12: {  	s1 =	sld [smem:$0x3F99];
	s0 =	simm.s32 @p0 $0x1  }
0x13: {  	[smem:$0x3FB4] =	sst s0;
	s0 =	simm.s32 @!p1 $0x0  }
0x14: {  	s2 =	sld [smem:$0x3F98];
	s0 =	simm.s32 @p1 $0x1  }
0x15: {  	[smem:$0x3FB5] =	sst s0;
	s0 =	simm.s32 @!p2 $0x0  }
0x16: {  	s3 =	sld [smem:$0x3FDB];
	s0 =	simm.s32 @p2 $0x1  }
0x17: {  	s4 =	simm.s32 $0x1BF5;
	[smem:$0x3FB7] =	sst s0  }
0x18: {  	s0 =	sld [smem:$0x3F9A];
	_ =	swait.ge [sflag:s4], $0x0  }
0x19: {  	s7 =	sld [smem:$0x3F9B]  }
0x1a: {  	s8 =	sadd.s32 $0xFFFFE003, lr  }
0x1b: {  	s9 =	sadd.s32 $0xFFFFFEF7, lr;
	s5 =	simm.s32 $0xFFFFFFFF;
	p2 =	slt.u32 s8, $0xFFFFF086  }
0x1c: {  	p1 =	slt.u32 s9, $0xF7A;
	s5 =	simm.s32 @!p2 $0x0  }
0x1d: {  	s5 =	simm.s32 @p1 $0x1;
	p0 =	seq.s32 s7, s2  }
0x1e: {  	s7 =	smul.u32 @!p0 $0xF7A, s2;
	p2 =	seq.s32 @!p0 s5, $0x0  }
0x1f: {  	s9 =	smul.u32 $0xF7A, s1;
	s8 =	simm.s32 @!p0 $0x1BF5;
	p2 =	por !p2, p0  }
0x20: {  	[sflag:s8] =	ssyncset.s32 @!p0 $0xFFFFF086;
	s6 =	sadd.s32 @!p0 s3, s7;
	s7 =	simm.s32 @!p0 $0x108  }
0x21: {  	s3 =	sadd.s32 s3, s9;
	s6 =	sadd.s32 @!p0 $0x88, s6;
	s7 =	simm.s32 @p2 $0x1082  }
0x22: {  	[simem:s7], [sflag:s8] =	dma.local @!p0 [hbm:s6], $0xF7A  }
0x23: {  	s9 =	sor.u32 $0xD0000000, s2;
	s6 =	simm.s32 $0x108;
	_ =	swait.ge @!p0 [sflag:s8], $0x0  }
0x24: {  	s3 =	sadd.s32 $0x88, s3;
	s6 =	simm.s32 @!p1 $0x1082;
	[sflag:s4] =	ssyncset.s32 $0xFFFFF086  }
0x25: {  	[simem:s6], [sflag:s4] =	dma.local [hbm:s3], $0xF7A  }
0x26: {  	[smem:$0x3F9B] =	sst s1;
	(tag) =	ssettag s2;
	_ =	strace s9  }
0x27: {  	s1 =	sld [smem:$0x3FAB]  }
0x28: {  	s2 =	sld [smem:$0x3FAC]  }
0x29: {  	s4 =	sld [smem:$0x3FAE]  }
0x2a: {  	p0 =	seq.s32 s5, $0x0;
	s5 =	sld [smem:$0x3FAF]  }
0x2b: {  	s6 =	sld [smem:$0x3FB0]  }
0x2c: {  	s7 =	sld [smem:$0x3FB1]  }
0x2d: {  	s3 =	simm.s32 $0x108;
	s8 =	sld [smem:$0x3FB2]  }
0x2e: {  	s3 =	simm.s32 @!p0 $0x1082;
	s9 =	sld [smem:$0x3FB3]  }
0x2f: {  	lr =	sadd.s32 s0, s3;
	s0 =	sld [smem:$0x3FAA]  }
0x30: {  	s3 =	sld [smem:$0x3FAD]  }
0x31: {  	[smem:$0x3FB6] =	sst s10  }
0x32: {  	s10 =	sld [smem:$0x3FB4];
	_ =	sdelay $0x3  }
0x33: {  	p0 =	seq.s32 s10, $0x1;
	s10 =	sld [smem:$0x3FB6];
	_ =	sdelay $0x3  }
0x34: {  	[smem:$0x3FB6] =	sst s10  }
0x35: {  	s10 =	sld [smem:$0x3FB5];
	_ =	sdelay $0x3  }
0x36: {  	p1 =	seq.s32 s10, $0x1;
	s10 =	sld [smem:$0x3FB6];
	_ =	sdelay $0x3  }
0x37: {  	[smem:$0x3FB6] =	sst s10  }
0x38: {  	s10 =	sld [smem:$0x3FB7]  }
0x39: {  	_ = 	snop;
	(pc) =	sbr.ind lr, $3  }
0x3a: {  	_ = 	snop  }
0x3b: {  	_ = 	snop  }
0x3c: {  	p2 =	seq.s32 s10, $0x1;
	s10 =	sld [smem:$0x3FB6]  }
0x3d: {  	_ =	shalt  }
0x3e: {  	_ =	shalt  }
0x3f: {  	_ =	shalt  }
0x40: {  	_ =	shalt  }
0x41: {  	_ =	shalt  }
0x42: {  	_ =	shalt  }
0x43: {  	_ =	shalt  }
0x44: {  	_ =	shalt  }
0x45: {  	_ =	shalt  }
0x46: {  	_ =	shalt  }
0x47: {  	_ =	shalt  }
0x48: {  	_ =	shalt  }
0x49: {  	_ =	shalt  }
0x4a: {  	_ =	shalt  }
0x4b: {  	_ =	shalt  }
0x4c: {  	_ =	shalt  }
0x4d: {  	_ =	shalt  }
0x4e: {  	_ =	shalt  }
0x4f: {  	_ =	shalt  }
0x50: {  	_ =	shalt  }
0x51: {  	_ =	shalt  }
0x52: {  	_ =	shalt  }
0x53: {  	_ =	shalt  }
0x54: {  	_ =	shalt  }
0x55: {  	_ =	shalt  }
0x56: {  	_ =	shalt  }
0x57: {  	_ =	shalt  }
0x58: {  	_ =	shalt  }
0x59: {  	_ =	shalt  }
0x5a: {  	_ =	shalt  }
0x5b: {  	_ =	shalt  }
0x5c: {  	_ =	shalt  }
0x5d: {  	_ =	shalt  }
0x5e: {  	_ =	shalt  }
0x5f: {  	_ =	shalt  }
0x60: {  	_ =	shalt  }
0x61: {  	_ =	shalt  }
0x62: {  	_ =	shalt  }
0x63: {  	_ =	shalt  }
0x64: {  	_ =	shalt  }
0x65: {  	_ =	shalt  }
0x66: {  	_ =	shalt  }
0x67: {  	_ =	shalt  }
0x68: {  	_ =	shalt  }
0x69: {  	_ =	shalt  }
0x6a: {  	_ =	shalt  }
0x6b: {  	_ =	shalt  }
0x6c: {  	_ =	shalt  }
0x6d: {  	_ =	shalt  }
0x6e: {  	_ =	shalt  }
0x6f: {  	_ =	shalt  }
0x70: {  	_ =	shalt  }
0x71: {  	_ =	shalt  }
0x72: {  	_ =	shalt  }
0x73: {  	_ =	shalt  }
0x74: {  	_ =	shalt  }
0x75: {  	_ =	shalt  }
0x76: {  	_ =	shalt  }
0x77: {  	_ =	shalt  }
0x78: {  	_ =	shalt  }
0x79: {  	_ =	shalt  }
0x7a: {  	_ =	shalt  }
0x7b: {  	_ =	shalt  }
0x7c: {  	_ =	shalt  }
0x7d: {  	_ =	shalt  }
0x7e: {  	_ =	shalt  }
0x7f: {  	_ =	shalt  }
0x80: {  	_ =	shalt  }
0x81: {  	_ =	shalt  }
0x82: {  	_ =	shalt  }
0x83: {  	_ =	shalt  }
0x84: {  	_ =	shalt  }
0x85: {  	_ =	shalt  }
0x86: {  	_ =	shalt  }
0x87: {  	_ =	shalt  }
.Lfunc_end0:
.L_simem_size_0:
called_computation.1_lowered:
.L_overlay_start_0:
0x88: {  	s2 =	sld [smem:$0x3FD9]  }
0x89: {  	s3 =	sld [smem:$0x3FFE];
	_ =	sdelay $0x1  }
0x8a: {  	s1 =	srdreg.scid  }
0x8b: {  	s0 =	sand.u32 $0x1, s1  }
0x8c: {  	s17 =	sshll.u32 s0, $0xA;
	s2 =	sadd.s32 s3, s2  }
0x8d: {  	s2 =	sadd.s32 s2, s17  }
0x8e: {  	[smem:$0x3FC2] =	sst s2  }
0x8f: {  	_ = 	snop  }
0x90: {  	s2 =	sld [smem:$0x3FD0];
	(tm) =	ssettm $0x1  }
0x91: {  	s18 =	sld [smem:$0x3FFB];
	_ =	sdelay $0x3  }
0x92: {  	_ =	strace s18  }
0x93: {  	s3 =	sld [smem:$0x3FFC];
	_ =	sdelay $0x3  }
0x94: {  	_ =	strace s3  }
0x95: {  	s3 =	sld [smem:$0x3FFD];
	_ =	sdelay $0x3  }
0x96: {  	_ =	strace s3  }
0x97: {  	_ =	strace $0x8FFFFFFF  }
0x98: {  	s19 =	sld [smem:$0x3FDB];
	_ =	sdelay $0x1  }
0x99: {  	s4 =	simm.s32 $_scs_section_size  }
0x9a: {  	s5 =	simm.s32 $_size__tile_overlayer_lowered;
	s6 =	simm.s32 $_tile_overlayer_lowered  }
0x9b: {  	s22 =	simm.s32 $0x1BFF;
	s21 =	sshll.u32 s6, $0x1;
	s3 =	sadd.s32 s4, s19  }
0x9c: {  	s7 =	simm.s32 $0x0;
	s20 =	sshll.u32 s5, $0x1;
	s5 =	sadd.s32 s21, s3  }
0x9d: {  	[timem:s7], [sflag:s22] =	dma.local [hbm:s5], s20  }
0x9e: {  	_ =	swait.ge [sflag:s22], s20  }
0x9f: {  	s4 =	ssub.s32 $0x0, s20;
	[sflag:s22] =	ssyncset.done $0x0  }
0xa0: {  	[sflag:s22] =	ssyncadd.s32 s4;
	_ =	sdelay $0x1  }
0xa1: {  	s23 =	simm.s32 $0x1B8B  }
0xa2: {  	_ =	swait.ge [sflag:s23], $0x1  }
0xa3: {  	[sflag:s23] =	ssyncset.done $0x0  }
0xa4: {  	s25 =	simm.s32 $0x1B8E;
	s24 =	sld [smem:$0x3FFE];
	[sflag:s23] =	ssyncadd.s32 $0xFFFFFFFF  }
0xa5: {  	s26 =	simm.s32 $execute0_lowered;
	[smem:$0x3FD2] =	sst s25  }
0xa6: {  	s5 =	sshll.u32 s26, $0x1;
	_ =	strace $0x80000049;
	[dreg:$0x1] =	wrdreg $0xFFFFFFFF  }
0xa7: {  	s28 =	simm.s32 $_size_execute0_lowered;
	s3 =	sadd.s32 s3, s5;
	[dreg:$0x0] =	wrdreg $0x0  }
0xa8: {  	s5 =	sshll.u32 s28, $0x1;
	[dreg:$0x2] =	wrdreg s3  }
0xa9: {  	[dreg:$0x3] =	wrdreg s5  }
0xaa: {  	[dreg:$0x4] =	wrdreg $0xC0  }
0xab: {  	_ =	task [dreg:s7], $0x5FFFF  }
0xac: {  	[dreg:$0x1] =	wrdreg $0xFFFFFFFF  }
0xad: {  	[dreg:$0x0] =	wrdreg $0x60  }
0xae: {  	[dreg:$0x2] =	wrdreg s24  }
0xaf: {  	[dreg:$0x3] =	wrdreg s2  }
0xb0: {  	[dreg:$0x4] =	wrdreg $0xB7800  }
0xb1: {  	[dreg:$0x5] =	wrdreg $0x9  }
0xb2: {  	_ =	task.clear_ibuf [dreg:s7], $0x6FFFF;
	_ =	strace $0x90000049  }
0xb3: {  	s29 =	simm.s32 $0x9;
	_ =	strace $0x8000004B  }
0xb4: {  	_ =	swait.ge [sflag:s29], $0x1  }
0xb5: {  	[sflag:s29] =	ssyncadd.s32 $0xFFFFFFFF  }
0xb6: {  	_ =	strace $0x9000004B  }
0xb7: {  	_ =	sfence  }
0xb8: {  	s30 =	sld [smem:$0x0];
	_ =	sdelay $0x2  }
0xb9: {  	s31 =	sshll.u32 s1, $0xD;
	s1 =	sshrl.u32 s1, $0x2  }
0xba: {  	s3 =	sand.u32 $0x4000, s31;
	s1 =	sadd.s32 s1, s30  }
0xbb: {  	s0 =	sor.u32 s3, s0;
	s1 =	sshll.u32 s1, $0x11  }
0xbc: {  	s0 =	sor.u32 s1, s0  }
0xbd: {  	s0 =	sadd.s32 $0x8F2B, s0  }
0xbe: {  	[sflag:s0] =	ssyncadd.remote.s32 $0x1  }
0xbf: {  	_ =	sfence.sel $0xFFFF  }
0xc0: {  	[dreg:$0x0] =	wrdreg $0xFFFFFFFF;
	(pc) =	sbr.abs _section_cstart, $3  }
0xc1: {  	[dreg:$0x1] =	wrdreg $0xFFFFFFFF  }
0xc2: {  	_ =	task.clear_ibuf [dreg:s7], $0x2FFFF;
	_ =	strace $0x9FFFFFFF  }
0xc3: {  	(tm) =	ssettm $0x7FFFFFFF  }
tec
execute0_lowered:
.L_overlay_start_1:
0x0: {  	(tag) =	ssettag $0x1  }
0x1: {  	s0 =	rddreg [dreg:$0x0]  }
0x2: {  	s2 =	rddreg [dreg:$0x1]  }
0x3: {  	s1 =	rddreg [dreg:$0x2];
	s4 =	srdreg.scid  }
0x4: {  	s20 =	stileid.u32;
	s3 =	simm.s32 $0x0;
	s19 =	simm.s32 $0x2780  }
0x5: {  	s21 =	simm.s32 $0x1;
	s22 =	simm.s32 $0x2;
	s23 =	simm.s32 $0x3  }
0x6: {  	s24 =	simm.s32 $0x4;
	s25 =	simm.s32 $0x50;
	s26 =	simm.s32 $0x8F80  }
0x7: {  	s31 =	simm.s32 $0x5;
	s12 =	sand.u32 $0x1, s4;
	s9 =	smul.u32 $0x4E000, s20  }
0x8: {  	s28 =	sshll.u32 s20, $0x1;
	[smem:$0x7FF] =	sst s3;
	s30 =	smul.u32 $0x2700, s20  }
0x9: {  	s4 =	sadd.s32 $0xB000, s0;
	p0 =	sne.s32 s20, $0x0;
	s14 =	smul.u32 $0x138800, s12  }
0xa: {  	s20 =	simm.s32 $0x6780;
	s6 =	sor.u32 s12, s28;
	s15 =	smul.u32 $0x27100, s12  }
0xb: {  	_ =	strace $0x8000004A;
	s7 =	ssub.s32 $0x2, s12;
	s5 =	smul.u32 $0x4E2, s6  }
0xc: {  	s8 =	sshrl.u32 s7, $0x1;
	s6 =	sshll.u32 s6, $0xB;
	s29 =	sshrl.u32 s9, $0x2  }
0xd: {  	s18 =	ssub.s32 s7, s8;
	s6 =	sadd.s32 s2, s6;
	s7 =	sadd.s32 s29, s1  }
0xe: {  	s16 =	sshrl.u32 s14, $0x3;
	s2 =	sadd.s32 s30, s15;
	s15 =	sadd.s32 $0x138000, s1  }
0xf: {  	s5 =	sadd.s32 s5, s0;
	s0 =	sadd.s32 $0xA7E00, s0;
	s8 =	sadd.s32 $0x2800, s7  }
0x10: {  	s9 =	sadd.s32 $0x5000, s7;
	s10 =	sadd.s32 $0x7800, s7;
	s11 =	sadd.s32 $0xA000, s7  }
0x11: {  	s12 =	sadd.s32 $0xC800, s7;
	s13 =	sadd.s32 $0xF000, s7;
	s14 =	sadd.s32 $0x11800, s7  }
0x12: {  	s18 =	smax.u32 s18, $0x1;
	s5 =	sadd.s32 $0x1200, s5;
	s17 =	sadd.s32 s0, s16  }
0x13: {  	v0 =	vimm.f32 $0.0e+00;
	s16 =	sadd.s32 s0, s2;
	s0 =	simm.s32 $0x0;
	s17 =	sadd.s32 $0x27000, s17  }
.LBB2_1:
0x14: {  	[tilespmem:s3], [sflag:$0x1] =	stream.linear.gather [hbm4b:s5+s3], $0x2710, $0x38;
	[tilespmem:$0x1F000] =	vst v63  }
0x15: {  	s2 =	simm.s32 $0x0;
	s28 =	simm.s32 $0x200  }
0x16: {  	[tilespmem:s19], [sflag:$0x2] =	stream.linear.gather [hbm4b:s6+s3], $0x3E80, $0x38;
	[tilespmem:$0x1F000] =	vst v63  }
.LBB2_2:
0x17: {  	p1 =	sne.s32 s28, $0x9E00;
	[tilespmem:s2+$0x67F0] =	vst v0  }
0x18: {  	[tilespmem:s2+$0x6780] =	vst v0  }
0x19: {  	[tilespmem:s2+$0x6790] =	vst v0  }
.Ltmp0:
0x1a: {  	[tilespmem:s2+$0x67A0] =	vst v0;
	(pc) =	sbr.rel @p1 .LBB2_2-.Ltmp0, $4  }
0x1b: {  	[tilespmem:s2+$0x67B0] =	vst v0  }
0x1c: {  	[tilespmem:s2+$0x67C0] =	vst v0  }
0x1d: {  	[tilespmem:s2+$0x67D0] =	vst v0  }
0x1e: {  	[tilespmem:s2+$0x67E0] =	vst v0;
	s2 =	sshra.s32 s28, $0x2;
	s28 =	sadd.s32 $0x200, s28  }
0x1f: {  	[tilespmem:s2+$0x67F0] =	vst v0  }
0x20: {  	[tilespmem:s2+$0x6780] =	vst v0  }
0x21: {  	[tilespmem:s2+$0x6790] =	vst v0  }
0x22: {  	[tilespmem:s2+$0x67A0] =	vst v0  }
0x23: {  	[tilespmem:s2+$0x67B0] =	vst v0  }
0x24: {  	[tilespmem:s2+$0x67C0] =	vst v0  }
0x25: {  	[tilespmem:s2+$0x67D0] =	vst v0  }
0x26: {  	[tilespmem:s2+$0x67E0] =	vst v0  }
0x27: {  	[spmem:s7] =	stream.linear.scatter [tilespmem:s20], [sflag:$0x3], $0x2800, $0x38;
	[tilespmem:$0x1F000] =	vst v63  }
0x28: {  	_ = 	snop  }
0x29: {  	[spmem:s8] =	stream.linear.scatter [tilespmem:s20], [sflag:$0x3], $0x2800, $0x38;
	[tilespmem:$0x1F000] =	vst v63  }
0x2a: {  	_ = 	snop  }
0x2b: {  	[spmem:s9] =	stream.linear.scatter [tilespmem:s20], [sflag:$0x3], $0x2800, $0x38;
	[tilespmem:$0x1F000] =	vst v63  }
0x2c: {  	_ = 	snop  }
0x2d: {  	[spmem:s10] =	stream.linear.scatter [tilespmem:s20], [sflag:$0x3], $0x2800, $0x38;
	[tilespmem:$0x1F000] =	vst v63  }
0x2e: {  	_ = 	snop  }
0x2f: {  	[spmem:s11] =	stream.linear.scatter [tilespmem:s20], [sflag:$0x3], $0x2800, $0x38;
	[tilespmem:$0x1F000] =	vst v63  }
0x30: {  	_ = 	snop  }
0x31: {  	[spmem:s12] =	stream.linear.scatter [tilespmem:s20], [sflag:$0x3], $0x2800, $0x38;
	[tilespmem:$0x1F000] =	vst v63  }
0x32: {  	_ = 	snop  }
0x33: {  	[spmem:s13] =	stream.linear.scatter [tilespmem:s20], [sflag:$0x3], $0x2800, $0x38;
	[tilespmem:$0x1F000] =	vst v63  }
0x34: {  	_ = 	snop  }
0x35: {  	[spmem:s14] =	stream.linear.scatter [tilespmem:s20], [sflag:$0x4], $0x2000, $0x38;
	[tilespmem:$0x1F000] =	vst v63  }
0x36: {  	s2 =	simm.s32 @!p0 $0x6780  }
0x37: {  	[spmem:s15] =	stream.linear.scatter @!p0 [tilespmem:s2], [sflag:$0x5], $0x800, $0x38;
	[tilespmem:$0x1F000] =	vst v63  }
0x38: {  	s2 =	simm.s32 @!p0 $0x5  }
0x39: {  	_ =	swait.ge @!p0 [sflag:s2], $0x800  }
0x3a: {  	[sflag:s2] =	ssyncset.done @!p0 $0x0  }
0x3b: {  	[sflag:s2] =	ssyncadd.s32 @!p0 $0xFFFFF800  }
0x3c: {  	_ =	swait.ge [sflag:s21], $0x2710  }
0x3d: {  	[sflag:s21] =	ssyncset.done $0x0  }
0x3e: {  	[sflag:s21] =	ssyncadd.s32 $0xFFFFD8F0  }
0x3f: {  	_ =	swait.ge [sflag:s22], $0x3E80  }
0x40: {  	[sflag:s22] =	ssyncset.done $0x0  }
0x41: {  	[sflag:s22] =	ssyncadd.s32 $0xFFFFC180  }
0x42: {  	_ =	swait.ge [sflag:s23], $0x2800  }
0x43: {  	[sflag:s23] =	ssyncset.done $0x0  }
0x44: {  	[sflag:s23] =	ssyncadd.s32 $0xFFFFD800  }
0x45: {  	_ =	swait.ge [sflag:s23], $0x2800  }
0x46: {  	[sflag:s23] =	ssyncset.done $0x0  }
0x47: {  	[sflag:s23] =	ssyncadd.s32 $0xFFFFD800  }
0x48: {  	_ =	swait.ge [sflag:s23], $0x2800  }
0x49: {  	[sflag:s23] =	ssyncset.done $0x0  }
0x4a: {  	[sflag:s23] =	ssyncadd.s32 $0xFFFFD800  }
0x4b: {  	_ =	swait.ge [sflag:s23], $0x2800  }
0x4c: {  	[sflag:s23] =	ssyncset.done $0x0  }
0x4d: {  	[sflag:s23] =	ssyncadd.s32 $0xFFFFD800  }
0x4e: {  	_ =	swait.ge [sflag:s23], $0x2800  }
0x4f: {  	[sflag:s23] =	ssyncset.done $0x0  }
0x50: {  	[sflag:s23] =	ssyncadd.s32 $0xFFFFD800  }
0x51: {  	_ =	swait.ge [sflag:s23], $0x2800  }
0x52: {  	[sflag:s23] =	ssyncset.done $0x0  }
0x53: {  	[sflag:s23] =	ssyncadd.s32 $0xFFFFD800  }
0x54: {  	_ =	swait.ge [sflag:s23], $0x2800  }
0x55: {  	[sflag:s23] =	ssyncset.done $0x0  }
0x56: {  	[sflag:s23] =	ssyncadd.s32 $0xFFFFD800  }
0x57: {  	_ =	swait.ge [sflag:s24], $0x2000  }
0x58: {  	[sflag:s24] =	ssyncset.done $0x0  }
0x59: {  	[sflag:s24] =	ssyncadd.s32 $0xFFFFE000  }
0x5a: {  	[bflag:$0x0] =	sbarrier.arrive $0xFFFF  }
0x5b: {  	[tilespmem:s20], [sflag:$0x1] =	stream.indirect.gather [hbm4b:s4+s25], $0x80, s3, s25, $0xb8;
	[tilespmem:$0x1F000] =	vst v63  }
0x5c: {  	_ = 	snop  }
0x5d: {  	[tilespmem:s26], [sflag:$0x2] =	stream.indirect.gather [hbm4b:s4+s25], $0x80, s25, s25, $0xb8;
	[tilespmem:$0x1F000] =	vst v63  }
0x5e: {  	_ =	swait.ge [sflag:s21], $0x2800  }
0x5f: {  	[sflag:s21] =	ssyncset.done $0x0  }
0x60: {  	[sflag:s21] =	ssyncadd.s32 $0xFFFFD800  }
0x61: {  	[spmem:s1] =	stream.indirect.scatter.add.f32 [tilespmem:s20], [sflag:$0x3], $0x80, s19, s25, $0xb8;
	[tilespmem:$0x1F000] =	vst v63  }
0x62: {  	_ =	swait.ge [sflag:s22], $0x2800  }
0x63: {  	[sflag:s22] =	ssyncset.done $0x0  }
0x64: {  	s30 =	simm.s32 $0x2800;
	[sflag:s22] =	ssyncadd.s32 $0xFFFFD800  }
0x65: {  	[spmem:s1] =	stream.indirect.scatter.add.f32 [tilespmem:s26], [sflag:$0x4], $0x80, s30, s25, $0xb8;
	[tilespmem:$0x1F000] =	vst v63  }
0x66: {  	_ =	swait.ge [sflag:s23], $0x2800  }
0x67: {  	[sflag:s23] =	ssyncset.done $0x0  }
0x68: {  	s30 =	simm.s32 $0xA0;
	[sflag:s23] =	ssyncadd.s32 $0xFFFFD800  }
0x69: {  	[tilespmem:s20], [sflag:$0x1] =	stream.indirect.gather [hbm4b:s4+s25], $0x80, s30, s25, $0xb8;
	[tilespmem:$0x1F000] =	vst v63  }
0x6a: {  	_ =	swait.ge [sflag:s24], $0x2800  }
0x6b: {  	[sflag:s24] =	ssyncset.done $0x0  }
0x6c: {  	s30 =	simm.s32 $0xF0;
	[sflag:s24] =	ssyncadd.s32 $0xFFFFD800  }
0x6d: {  	[tilespmem:s26], [sflag:$0x2] =	stream.indirect.gather [hbm4b:s4+s25], $0x80, s30, s25, $0xb8;
	[tilespmem:$0x1F000] =	vst v63  }
0x6e: {  	_ =	swait.ge [sflag:s21], $0x2800  }
0x6f: {  	[sflag:s21] =	ssyncset.done $0x0  }
0x70: {  	s30 =	simm.s32 $0x2880;
	[sflag:s21] =	ssyncadd.s32 $0xFFFFD800  }
0x71: {  	[spmem:s1] =	stream.indirect.scatter.add.f32 [tilespmem:s20], [sflag:$0x3], $0x80, s30, s25, $0xb8;
	[tilespmem:$0x1F000] =	vst v63  }
0x72: {  	_ =	swait.ge [sflag:s22], $0x2800  }
0x73: {  	s29 =	simm.s32 $0x2900;
	[sflag:s22] =	ssyncset.done $0x0  }
0x74: {  	s28 =	simm.s32 $0x140;
	s2 =	simm.s32 $0xFFFF1000;
	[sflag:s22] =	ssyncadd.s32 $0xFFFFD800  }
.LBB2_4:
0x75: {  	[spmem:s1] =	stream.indirect.scatter.add.f32 [tilespmem:s26], [sflag:$0x4], $0x80, s29, s25, $0xb8;
	[tilespmem:$0x1F000] =	vst v63  }
0x76: {  	s29 =	smov.u32 s2  }
0x77: {  	p1 =	sne.s32 s2, $0xFFFFFC00;
	s2 =	sadd.s32 $0x400, s2;
	_ =	swait.ge [sflag:s23], $0x2800  }
0x78: {  	[sflag:s23] =	ssyncset.done $0x0  }
0x79: {  	[sflag:s23] =	ssyncadd.s32 $0xFFFFD800  }
0x7a: {  	[tilespmem:s20], [sflag:$0x1] =	stream.indirect.gather [hbm4b:s4+s25], $0x80, s28, s25, $0xb8;
	[tilespmem:$0x1F000] =	vst v63  }
0x7b: {  	_ =	swait.ge [sflag:s24], $0x2800  }
0x7c: {  	[sflag:s24] =	ssyncset.done $0x0  }
0x7d: {  	s30 =	sadd.s32 $0x50, s28;
	[sflag:s24] =	ssyncadd.s32 $0xFFFFD800  }
0x7e: {  	[tilespmem:s26], [sflag:$0x2] =	stream.indirect.gather [hbm4b:s4+s25], $0x80, s30, s25, $0xb8;
	[tilespmem:$0x1F000] =	vst v63  }
0x7f: {  	_ =	swait.ge [sflag:s21], $0x2800  }
0x80: {  	s29 =	sshra.s32 s29, $0x2;
	[sflag:s21] =	ssyncset.done $0x0  }
.Ltmp1:
0x81: {  	s30 =	sadd.s32 $0x6580, s29;
	[sflag:s21] =	ssyncadd.s32 $0xFFFFD800;
	(pc) =	sbr.rel @p1 .LBB2_4-.Ltmp1, $4  }
0x82: {  	[spmem:s1] =	stream.indirect.scatter.add.f32 [tilespmem:s20], [sflag:$0x3], $0x80, s30, s25, $0xb8;
	[tilespmem:$0x1F000] =	vst v63  }
0x83: {  	_ =	swait.ge [sflag:s22], $0x2800  }
0x84: {  	[sflag:s22] =	ssyncset.done $0x0  }
0x85: {  	s28 =	sadd.s32 $0xA0, s28;
	s29 =	sadd.s32 $0x6600, s29;
	[sflag:s22] =	ssyncadd.s32 $0xFFFFD800  }
0x86: {  	[spmem:s1] =	stream.indirect.scatter.add.f32 [tilespmem:s26], [sflag:$0x4], $0x80, s29, s25, $0xb8;
	[tilespmem:$0x1F000] =	vst v63  }
0x87: {  	_ =	swait.ge [sflag:s23], $0x2800  }
0x88: {  	[sflag:s23] =	ssyncset.done $0x0  }
0x89: {  	s2 =	simm.s32 $0x26C0;
	[sflag:s23] =	ssyncadd.s32 $0xFFFFD800  }
0x8a: {  	[tilespmem:s20], [sflag:$0x1] =	stream.indirect.gather [hbm4b:s4+s25], $0x80, s2, s25, $0xb8;
	[tilespmem:$0x1F000] =	vst v63  }
0x8b: {  	_ =	swait.ge [sflag:s21], $0x2800  }
0x8c: {  	[sflag:s21] =	ssyncset.done $0x0  }
0x8d: {  	s29 =	simm.s32 $0x6580;
	[sflag:s21] =	ssyncadd.s32 $0xFFFFD800  }
0x8e: {  	[spmem:s1] =	stream.indirect.scatter.add.f32 [tilespmem:s20], [sflag:$0x3], $0x80, s29, s25, $0xb8;
	[tilespmem:$0x1F000] =	vst v63  }
0x8f: {  	_ =	swait.ge [sflag:s23], $0x2800  }
0x90: {  	[sflag:s23] =	ssyncset.done $0x0  }
0x91: {  	[sflag:s23] =	ssyncadd.s32 $0xFFFFD800  }
0x92: {  	_ =	swait.ge [sflag:s24], $0x2800  }
0x93: {  	s30 =	stileid.u32;
	[sflag:s24] =	ssyncset.done $0x0  }
0x94: {  	s2 =	sshll.u32 s30, $0x6;
	[sflag:s24] =	ssyncadd.s32 $0xFFFFD800  }
0x95: {  	s28 =	sshrl.u32 s7, $0x3;
	s2 =	sor.u32 $0x1C05, s2;
	[bflag:$0x0] =	sbarrier.arrive $0xFFFF  }
0x96: {  	[hbm:s16], [sflag:s2] =	dma.local [spmem:s28], $0x2700  }
0x97: {  	_ =	swait.ge [sflag:s31], $0x2700  }
0x98: {  	s0 =	sadd.s32 $0x1, s0;
	[sflag:s31] =	ssyncset.done $0x0  }
0x99: {  	p1 =	sne.s32 s0, s18;
	s28 =	sshrl.u32 @!p0 s15, $0x3;
	[sflag:s31] =	ssyncadd.s32 $0xFFFFD900  }
0x9a: {  	[hbm:s17], [sflag:s2] =	dma.local @!p0 [spmem:s28], $0x100  }
.Ltmp2:
0x9b: {  	_ = 	snop;
	(pc) =	sbr.rel @p1 .LBB2_1-.Ltmp2, $4  }
0x9c: {  	s2 =	simm.s32 @!p0 $0x5  }
0x9d: {  	_ =	swait.ge @!p0 [sflag:s2], $0x100  }
0x9e: {  	[sflag:s2] =	ssyncset.done @!p0 $0x0  }
0x9f: {  	[sflag:s2] =	ssyncadd.s32 @!p0 $0xFFFFFF00  }
0xa0: {  	_ =	sfence.sel $0x180000  }
0xa1: {  	[bflag:$0x0] =	sbarrier.arrive $0xFFFF  }
0xa2: {  	_ =	strace $0x9000004A  }
0xa3: {  	[bflag:$0x2] =	sbarrier.arrive $0xFFFF  }
0xa4: {  	s0 =	rddreg [dreg:$0x3]  }
0xa5: {  	s0 =	sadd.s32 @!p0 $0x100000, s0  }
0xa6: {  	[sflag:s0] =	ssyncadd.tile.s32 @!p0 $0x1;
	_ =	shalt  }
.Lfunc_end2:
_tile_overlayer_lowered:
.L_overlay_start_2:
0xa7: {  	(tag) =	ssettag $0x2  }
0xa8: {  	s0 =	rddreg [dreg:$0x0];
	s2 =	stileid.u32  }
0xa9: {  	s1 =	rddreg [dreg:$0x1];
	p0 =	sne.s32 s2, $0x0  }
0xaa: {  	s3 =	rddreg [dreg:$0x2];
	[bflag:$0x3] =	sbarrier.arrive $0xFFFF;
	s2 =	simm.s32 @!p0 $0x1C05  }
0xab: {  	[timem:s3], [sflag:s2] =	dma.local @!p0 [hbm:s0], s1  }
0xac: {  	s0 =	simm.s32 @!p0 $0x5  }
0xad: {  	_ =	swait.ge @!p0 [sflag:s0], s1  }
0xae: {  	s1 =	ssub.s32 @!p0 $0x0, s1;
	[sflag:s0] =	ssyncset.done @!p0 $0x0  }
0xaf: {  	[sflag:s0] =	ssyncadd.s32 @!p0 s1  }
0xb0: {  	[bflag:$0x3] =	sbarrier.arrive $0xFFFF  }
0xb1: {  	_ =	shalt  }

</sc_bundles>
